<compile_context>
chip_gen: v7x
topology: tpu7x:2x2x1
jax: 0.10.2.dev20260603
libtpu: 0.0.44.dev20260713+nightly
codegen_flags: <defaults>
</compile_context>

<pallas_src>
import jax
import jax.numpy as jnp
from jax import lax
from jax.experimental import pallas as pl
from jax.experimental.pallas import tpu as pltpu
from jax.experimental.pallas import tpu_sc as plsc

B = 32
NKP = 17
NV = B * NKP * 2
NCHUNK = NV // 16
H = 256
W = 256
NTILES = 16
NQPT = 5
NROWS = B * 2 * H


def _sc_body(out_hbm, packed_hbm, res_hbm, packed_v, idx_v,
             val_v, acc_v, red_v, res_v, shared, sem, gsem, ksem):
    sid = lax.axis_index("s")
    lanes = lax.iota(jnp.int32, 16)

    @pl.when(sid == 0)
    def _():
        red_v[...] = jnp.zeros((16,), jnp.float32)
        pltpu.sync_copy(red_v, shared)

    c1 = pltpu.async_copy(packed_hbm, packed_v, sem)
    c1.wait()

    out_rows = out_hbm.reshape(NROWS, W)

    cxs = []
    for s in range(NQPT):
        q = jnp.minimum(sid * NQPT + s, NCHUNK - 1)
        v = q * 16 + lanes
        c = lanes & 1
        p = v >> 1
        bb = p // NKP
        cy = plsc.load_gather(packed_v, [NV + (v | 1)])
        cxs.append(plsc.load_gather(packed_v, [NV + (v & ~1)]))
        idx_v[pl.ds(s * 16, 16)] = bb * (2 * H) + c * H + cy
    NS0 = 3
    g0 = pltpu.async_copy(out_rows.at[idx_v.at[pl.ds(0, NS0 * 16)]],
                          val_v.at[pl.ds(0, NS0 * 16)], gsem)
    g1 = pltpu.async_copy(out_rows.at[idx_v.at[pl.ds(NS0 * 16,
                                                     (NQPT - NS0) * 16)]],
                          val_v.at[pl.ds(NS0 * 16, (NQPT - NS0) * 16)], ksem)

    tgts = []
    for s in range(NQPT):
        q = jnp.minimum(sid * NQPT + s, NCHUNK - 1)
        v = q * 16 + lanes
        tgts.append(plsc.bitcast(
            plsc.load_gather(packed_v, [v]), jnp.float32))

    acc = jnp.zeros((16,), jnp.float32)
    g0.wait()
    for s in range(NQPT):
        if s == NS0:
            g1.wait()
        q0 = sid * NQPT + s
        val = plsc.load_gather(val_v, [s * 16 + lanes, cxs[s]])
        a = jnp.abs(val - tgts[s])
        sm = jnp.where(a < 1.0, 0.5 * a * a, a - 0.5)
        valid = (q0 * jnp.ones((16,), jnp.int32)) < NCHUNK
        acc = acc + jnp.where(valid, sm, 0.0)

    acc_v[...] = acc
    plsc.subcore_barrier()
    pltpu.sync_copy(acc_v, shared.at[lanes], add=True)
    plsc.subcore_barrier()

    @pl.when(sid == 0)
    def _():
        pltpu.sync_copy(shared, red_v)
        total = jnp.sum(red_v[...]) * (1.0 / NV)
        res_v[...] = jnp.full((16,), total, jnp.float32)
        pltpu.sync_copy(res_v, res_hbm)


@jax.jit
def _run(output, packed):
    mesh = plsc.VectorSubcoreMesh(core_axis_name="c", subcore_axis_name="s",
                                  num_cores=1)
    fn = pl.kernel(
        _sc_body,
        out_type=jax.ShapeDtypeStruct((16,), jnp.float32),
        name="smooth_l1_gather",
        mesh=mesh,
        scratch_types=[
            pltpu.VMEM((2 * NV,), jnp.int32),
            pltpu.VMEM((NQPT * 16,), jnp.int32),
            pltpu.VMEM((NQPT * 16, W), jnp.float32),
            pltpu.VMEM((16,), jnp.float32),
            pltpu.VMEM((16,), jnp.float32),
            pltpu.VMEM((16,), jnp.float32),
            pltpu.VMEM_SHARED((16,), jnp.float32),
            pltpu.SemaphoreType.DMA,
            pltpu.SemaphoreType.DMA,
            pltpu.SemaphoreType.DMA,
        ],
        compiler_params=pltpu.CompilerParams(needs_layout_passes=False),
    )
    return fn(output, packed)


def kernel(output, kp_projs_dis, cord):
    packed = jnp.concatenate([
        lax.bitcast_convert_type(kp_projs_dis, jnp.int32).reshape(-1),
        cord.reshape(-1),
    ])
    res = _run(output, packed)
    return res[0]

# --- scband reference (transcript-rebuilt; emitter-appended) ---
"""Pipeline reference for scband-reg-l1-loss-13821204758604 (READ-ONLY COPY).

The authoritative reference and input builder live on the scoring server;
editing this copy changes nothing except your own understanding.
"""

import jax, jax.numpy as jnp
import numpy as np


def setup_inputs(seed: int = 0) -> dict:
    key = jax.random.key(seed)
    k1, k2, k3 = jax.random.split(key, 3)
    output = jax.random.normal(k1, (32, 2, 256, 256), dtype=jnp.float32)
    kp_projs_dis = jax.random.normal(k2, (32, 17, 2), dtype=jnp.float32)
    cord = jax.random.randint(k3, (32, 17, 2), 0, 256, dtype=jnp.int32)
    return {"output": output, "kp_projs_dis": kp_projs_dis, "cord": cord}


def reference(output, kp_projs_dis, cord):
    # output: [B, 2, H, W] -> permute to [B, H, W, 2]
    op = jnp.transpose(output, (0, 2, 3, 1))
    cx = cord[..., 0]  # [B, n_kp]
    cy = cord[..., 1]  # [B, n_kp]
    b = jnp.arange(output.shape[0])[:, None]  # [B, 1]
    # gather: loss_data[b, k, :] = op[b, cy[b,k], cx[b,k], :]
    loss_data = op[b, cy, cx]  # [B, n_kp, 2]
    diff = loss_data - kp_projs_dis
    a = jnp.abs(diff)
    # SmoothL1Loss, beta=1.0, mean reduction
    sm = jnp.where(a < 1.0, 0.5 * a * a, a - 0.5)
    return jnp.mean(sm)

if __name__ == "__main__":
    import jax
    _d = setup_inputs()
    print(jax.jit(kernel)(*tuple(_d.values())))

</pallas_src>

<mosaic_0001>
#map = affine_map<(d0, d1) -> (0, 0, 0, 0)>
#map1 = affine_map<(d0, d1) -> (0)>
module attributes {stable_mosaic.version = 14 : i64} {
  func.func @smooth_l1_gather(%arg0: i32, %arg1: i32, %arg2: memref<32x2x256x256xf32, #tpu.memory_space<hbm>>, %arg3: memref<2176xi32, #tpu.memory_space<hbm>>, %arg4: memref<16xf32, #tpu.memory_space<hbm>>, %arg5: memref<2176xi32, #tpu.memory_space<vmem>>, %arg6: memref<80xi32, #tpu.memory_space<vmem>>, %arg7: memref<80x256xf32, #tpu.memory_space<vmem>>, %arg8: memref<16xf32, #tpu.memory_space<vmem>>, %arg9: memref<16xf32, #tpu.memory_space<vmem>>, %arg10: memref<16xf32, #tpu.memory_space<vmem>>, %arg11: memref<16xf32, #tpu.memory_space<vmem_shared>>, %arg12: memref<!tpu.dma_semaphore, #tpu.memory_space<semaphore_mem>>, %arg13: memref<!tpu.dma_semaphore, #tpu.memory_space<semaphore_mem>>, %arg14: memref<!tpu.dma_semaphore, #tpu.memory_space<semaphore_mem>>) attributes {dimension_semantics = [#tpu.dimension_semantics<core_parallel>, #tpu.dimension_semantics<subcore_parallel>], iteration_bounds = array<i64: 1, 16>, scalar_prefetch = 0 : i64, scratch_operands = 10 : i64, tpu.core_type = #tpu.core_type<sc_vector_subcore>, window_params = [{transform_indices = #map}, {transform_indices = #map1}, {transform_indices = #map1}]} {
    %iota3A = tpu.iota {dimensions = array<i32: 0>} : vector<16xi32>
    %eq3A = arith.constant 0 : i32
    %eq3A_0 = arith.cmpi eq, %arg1, %eq3A : i32
    %convert_element_type3A = arith.extui %eq3A_0 : i1 to i32
    %cond3A = arith.constant 0 : i32
    %cond3A_1 = arith.cmpi ne, %convert_element_type3A, %cond3A : i32
    scf.if %cond3A_1 {
      %broadcast_in_dim3A_602 = arith.constant 0.000000e+00 : f32
      %broadcast_in_dim3A_603 = vector.broadcast %broadcast_in_dim3A_602 : f32 to vector<16xf32>
      %swap3A_604 = arith.constant 0 : index
      %swap3A_605 = tpu.vector_load %arg9[%swap3A_604] {strides = array<i32>} : memref<16xf32, #tpu.memory_space<vmem>>, vector<16xf32>,
      tpu.vector_store %arg9[%swap3A_604], %broadcast_in_dim3A_603 {strides = array<i32>} : memref<16xf32, #tpu.memory_space<vmem>>, vector<16xf32>,
      "tpu.region"() ({
        %run_scoped3A = tpu.sem_alloc : memref<!tpu.dma_semaphore, #tpu.memory_space<semaphore_mem>>
        tpu.enqueue_dma source(%arg9 : memref<16xf32, #tpu.memory_space<vmem>>) target(%arg11 : memref<16xf32, #tpu.memory_space<vmem_shared>>) target_semaphore(%run_scoped3A : memref<!tpu.dma_semaphore, #tpu.memory_space<semaphore_mem>>)
        tpu.wait_dma2 semaphore(%run_scoped3A : memref<!tpu.dma_semaphore, #tpu.memory_space<semaphore_mem>>) src(%arg9 : memref<16xf32, #tpu.memory_space<vmem>>) dst(%arg11 : memref<16xf32, #tpu.memory_space<vmem_shared>>)
        tpu.yield
      }) : () -> ()
    } else {
    }
    tpu.enqueue_dma source(%arg3 : memref<2176xi32, #tpu.memory_space<hbm>>) target(%arg5 : memref<2176xi32, #tpu.memory_space<vmem>>) target_semaphore(%arg12 : memref<!tpu.dma_semaphore, #tpu.memory_space<semaphore_mem>>)
    tpu.wait_dma2 semaphore(%arg12 : memref<!tpu.dma_semaphore, #tpu.memory_space<semaphore_mem>>) src(%arg3 : memref<2176xi32, #tpu.memory_space<hbm>>) dst(%arg5 : memref<2176xi32, #tpu.memory_space<vmem>>)
    %mul3A = arith.constant 5 : i32
    %mul3A_2 = arith.muli %arg1, %mul3A : i32
    %add3A = arith.constant 0 : i32
    %add3A_3 = arith.addi %mul3A_2, %add3A : i32
    %min3A = arith.constant 67 : i32
    %min3A_4 = arith.minsi %add3A_3, %min3A : i32
    %mul3A_5 = arith.constant 16 : i32
    %mul3A_6 = arith.muli %min3A_4, %mul3A_5 : i32
    %add3A_7 = vector.broadcast %mul3A_6 : i32 to vector<16xi32>
    %add3A_8 = arith.addi %add3A_7, %iota3A : vector<16xi32>
    %and3A = arith.constant 1 : i32
    %and3A_9 = vector.broadcast %and3A : i32 to vector<16xi32>
    %and3A_10 = arith.andi %iota3A, %and3A_9 : vector<16xi32>
    %shift_right_arithmetic3A = arith.constant 1 : i32
    %shift_right_arithmetic3A_11 = vector.broadcast %shift_right_arithmetic3A : i32 to vector<16xi32>
    %shift_right_arithmetic3A_12 = arith.shrsi %add3A_8, %shift_right_arithmetic3A_11 : vector<16xi32>
    %jit3A = arith.constant 17 : i32
    %div3A = vector.broadcast %jit3A : i32 to vector<16xi32>
    %div3A_13 = arith.divsi %shift_right_arithmetic3A_12, %div3A : vector<16xi32>
    %sign3A = arith.constant 0 : i32
    %sign3A_14 = vector.broadcast %sign3A : i32 to vector<16xi32>
    %sign3A_15 = arith.cmpi sgt, %shift_right_arithmetic3A_12, %sign3A_14 : vector<16xi32>
    %sign3A_16 = arith.extui %sign3A_15 : vector<16xi1> to vector<16xi32>
    %sign3A_17 = arith.constant 0 : i32
    %sign3A_18 = vector.broadcast %sign3A_17 : i32 to vector<16xi32>
    %sign3A_19 = arith.cmpi slt, %shift_right_arithmetic3A_12, %sign3A_18 : vector<16xi32>
    %sign3A_20 = arith.extui %sign3A_19 : vector<16xi1> to vector<16xi32>
    %sign3A_21 = arith.subi %sign3A_16, %sign3A_20 : vector<16xi32>
    %sign3A_22 = arith.constant 0 : i32
    %sign3A_23 = arith.cmpi sgt, %jit3A, %sign3A_22 : i32
    %sign3A_24 = arith.extui %sign3A_23 : i1 to i32
    %sign3A_25 = arith.constant 0 : i32
    %sign3A_26 = arith.cmpi slt, %jit3A, %sign3A_25 : i32
    %sign3A_27 = arith.extui %sign3A_26 : i1 to i32
    %sign3A_28 = arith.subi %sign3A_24, %sign3A_27 : i32
    %ne3A = vector.broadcast %sign3A_28 : i32 to vector<16xi32>
    %ne3A_29 = arith.cmpi ne, %sign3A_21, %ne3A : vector<16xi32>
    %rem3A = vector.broadcast %jit3A : i32 to vector<16xi32>
    %rem3A_30 = arith.remsi %shift_right_arithmetic3A_12, %rem3A : vector<16xi32>
    %ne3A_31 = arith.constant 0 : i32
    %ne3A_32 = vector.broadcast %ne3A_31 : i32 to vector<16xi32>
    %ne3A_33 = arith.cmpi ne, %rem3A_30, %ne3A_32 : vector<16xi32>
    %and3A_34 = arith.andi %ne3A_29, %ne3A_33 : vector<16xi1>
    %sub3A = arith.constant 1 : i32
    %sub3A_35 = vector.broadcast %sub3A : i32 to vector<16xi32>
    %sub3A_36 = arith.subi %div3A_13, %sub3A_35 : vector<16xi32>
    %select_n3A = arith.select %and3A_34, %sub3A_36, %div3A_13 : vector<16xi1>, vector<16xi32>
    %or3A = arith.constant 1 : i32
    %or3A_37 = vector.broadcast %or3A : i32 to vector<16xi32>
    %or3A_38 = arith.ori %add3A_8, %or3A_37 : vector<16xi32>
    %add3A_39 = arith.constant 1088 : i32
    %add3A_40 = vector.broadcast %add3A_39 : i32 to vector<16xi32>
    %add3A_41 = arith.addi %add3A_40, %or3A_38 : vector<16xi32>
    %gather3A = tpu.vector_load_idx %arg5[%add3A_41] : memref<2176xi32, #tpu.memory_space<vmem>>[vector<16xi32>], vector<16xi32>,
    %and3A_42 = arith.constant -2 : i32
    %and3A_43 = vector.broadcast %and3A_42 : i32 to vector<16xi32>
    %and3A_44 = arith.andi %add3A_8, %and3A_43 : vector<16xi32>
    %add3A_45 = arith.constant 1088 : i32
    %add3A_46 = vector.broadcast %add3A_45 : i32 to vector<16xi32>
    %add3A_47 = arith.addi %add3A_46, %and3A_44 : vector<16xi32>
    %gather3A_48 = tpu.vector_load_idx %arg5[%add3A_47] : memref<2176xi32, #tpu.memory_space<vmem>>[vector<16xi32>], vector<16xi32>,
    %mul3A_49 = arith.constant 512 : i32
    %mul3A_50 = vector.broadcast %mul3A_49 : i32 to vector<16xi32>
    %mul3A_51 = arith.muli %select_n3A, %mul3A_50 : vector<16xi32>
    %mul3A_52 = arith.constant 256 : i32
    %mul3A_53 = vector.broadcast %mul3A_52 : i32 to vector<16xi32>
    %mul3A_54 = arith.muli %and3A_10, %mul3A_53 : vector<16xi32>
    %add3A_55 = arith.addi %mul3A_51, %mul3A_54 : vector<16xi32>
    %add3A_56 = arith.addi %add3A_55, %gather3A : vector<16xi32>
    %swap3A = arith.constant 0 : index
    %swap3A_57 = tpu.vector_load %arg6[%swap3A] {strides = array<i32>} : memref<80xi32, #tpu.memory_space<vmem>>, vector<16xi32>,
    tpu.vector_store %arg6[%swap3A], %add3A_56 {strides = array<i32>} : memref<80xi32, #tpu.memory_space<vmem>>, vector<16xi32>,
    %mul3A_58 = arith.constant 5 : i32
    %mul3A_59 = arith.muli %arg1, %mul3A_58 : i32
    %add3A_60 = arith.constant 1 : i32
    %add3A_61 = arith.addi %mul3A_59, %add3A_60 : i32
    %min3A_62 = arith.constant 67 : i32
    %min3A_63 = arith.minsi %add3A_61, %min3A_62 : i32
    %mul3A_64 = arith.constant 16 : i32
    %mul3A_65 = arith.muli %min3A_63, %mul3A_64 : i32
    %add3A_66 = vector.broadcast %mul3A_65 : i32 to vector<16xi32>
    %add3A_67 = arith.addi %add3A_66, %iota3A : vector<16xi32>
    %and3A_68 = arith.constant 1 : i32
    %and3A_69 = vector.broadcast %and3A_68 : i32 to vector<16xi32>
    %and3A_70 = arith.andi %iota3A, %and3A_69 : vector<16xi32>
    %shift_right_arithmetic3A_71 = arith.constant 1 : i32
    %shift_right_arithmetic3A_72 = vector.broadcast %shift_right_arithmetic3A_71 : i32 to vector<16xi32>
    %shift_right_arithmetic3A_73 = arith.shrsi %add3A_67, %shift_right_arithmetic3A_72 : vector<16xi32>
    %jit3A_74 = arith.constant 17 : i32
    %div3A_75 = vector.broadcast %jit3A_74 : i32 to vector<16xi32>
    %div3A_76 = arith.divsi %shift_right_arithmetic3A_73, %div3A_75 : vector<16xi32>
    %sign3A_77 = arith.constant 0 : i32
    %sign3A_78 = vector.broadcast %sign3A_77 : i32 to vector<16xi32>
    %sign3A_79 = arith.cmpi sgt, %shift_right_arithmetic3A_73, %sign3A_78 : vector<16xi32>
    %sign3A_80 = arith.extui %sign3A_79 : vector<16xi1> to vector<16xi32>
    %sign3A_81 = arith.constant 0 : i32
    %sign3A_82 = vector.broadcast %sign3A_81 : i32 to vector<16xi32>
    %sign3A_83 = arith.cmpi slt, %shift_right_arithmetic3A_73, %sign3A_82 : vector<16xi32>
    %sign3A_84 = arith.extui %sign3A_83 : vector<16xi1> to vector<16xi32>
    %sign3A_85 = arith.subi %sign3A_80, %sign3A_84 : vector<16xi32>
    %sign3A_86 = arith.constant 0 : i32
    %sign3A_87 = arith.cmpi sgt, %jit3A_74, %sign3A_86 : i32
    %sign3A_88 = arith.extui %sign3A_87 : i1 to i32
    %sign3A_89 = arith.constant 0 : i32
    %sign3A_90 = arith.cmpi slt, %jit3A_74, %sign3A_89 : i32
    %sign3A_91 = arith.extui %sign3A_90 : i1 to i32
    %sign3A_92 = arith.subi %sign3A_88, %sign3A_91 : i32
    %ne3A_93 = vector.broadcast %sign3A_92 : i32 to vector<16xi32>
    %ne3A_94 = arith.cmpi ne, %sign3A_85, %ne3A_93 : vector<16xi32>
    %rem3A_95 = vector.broadcast %jit3A_74 : i32 to vector<16xi32>
    %rem3A_96 = arith.remsi %shift_right_arithmetic3A_73, %rem3A_95 : vector<16xi32>
    %ne3A_97 = arith.constant 0 : i32
    %ne3A_98 = vector.broadcast %ne3A_97 : i32 to vector<16xi32>
    %ne3A_99 = arith.cmpi ne, %rem3A_96, %ne3A_98 : vector<16xi32>
    %and3A_100 = arith.andi %ne3A_94, %ne3A_99 : vector<16xi1>
    %sub3A_101 = arith.constant 1 : i32
    %sub3A_102 = vector.broadcast %sub3A_101 : i32 to vector<16xi32>
    %sub3A_103 = arith.subi %div3A_76, %sub3A_102 : vector<16xi32>
    %select_n3A_104 = arith.select %and3A_100, %sub3A_103, %div3A_76 : vector<16xi1>, vector<16xi32>
    %or3A_105 = arith.constant 1 : i32
    %or3A_106 = vector.broadcast %or3A_105 : i32 to vector<16xi32>
    %or3A_107 = arith.ori %add3A_67, %or3A_106 : vector<16xi32>
    %add3A_108 = arith.constant 1088 : i32
    %add3A_109 = vector.broadcast %add3A_108 : i32 to vector<16xi32>
    %add3A_110 = arith.addi %add3A_109, %or3A_107 : vector<16xi32>
    %gather3A_111 = tpu.vector_load_idx %arg5[%add3A_110] : memref<2176xi32, #tpu.memory_space<vmem>>[vector<16xi32>], vector<16xi32>,
    %and3A_112 = arith.constant -2 : i32
    %and3A_113 = vector.broadcast %and3A_112 : i32 to vector<16xi32>
    %and3A_114 = arith.andi %add3A_67, %and3A_113 : vector<16xi32>
    %add3A_115 = arith.constant 1088 : i32
    %add3A_116 = vector.broadcast %add3A_115 : i32 to vector<16xi32>
    %add3A_117 = arith.addi %add3A_116, %and3A_114 : vector<16xi32>
    %gather3A_118 = tpu.vector_load_idx %arg5[%add3A_117] : memref<2176xi32, #tpu.memory_space<vmem>>[vector<16xi32>], vector<16xi32>,
    %mul3A_119 = arith.constant 512 : i32
    %mul3A_120 = vector.broadcast %mul3A_119 : i32 to vector<16xi32>
    %mul3A_121 = arith.muli %select_n3A_104, %mul3A_120 : vector<16xi32>
    %mul3A_122 = arith.constant 256 : i32
    %mul3A_123 = vector.broadcast %mul3A_122 : i32 to vector<16xi32>
    %mul3A_124 = arith.muli %and3A_70, %mul3A_123 : vector<16xi32>
    %add3A_125 = arith.addi %mul3A_121, %mul3A_124 : vector<16xi32>
    %add3A_126 = arith.addi %add3A_125, %gather3A_111 : vector<16xi32>
    %swap3A_127 = arith.constant 16 : index
    %swap3A_128 = tpu.vector_load %arg6[%swap3A_127] {strides = array<i32>} : memref<80xi32, #tpu.memory_space<vmem>>, vector<16xi32>,
    tpu.vector_store %arg6[%swap3A_127], %add3A_126 {strides = array<i32>} : memref<80xi32, #tpu.memory_space<vmem>>, vector<16xi32>,
    %mul3A_129 = arith.constant 5 : i32
    %mul3A_130 = arith.muli %arg1, %mul3A_129 : i32
    %add3A_131 = arith.constant 2 : i32
    %add3A_132 = arith.addi %mul3A_130, %add3A_131 : i32
    %min3A_133 = arith.constant 67 : i32
    %min3A_134 = arith.minsi %add3A_132, %min3A_133 : i32
    %mul3A_135 = arith.constant 16 : i32
    %mul3A_136 = arith.muli %min3A_134, %mul3A_135 : i32
    %add3A_137 = vector.broadcast %mul3A_136 : i32 to vector<16xi32>
    %add3A_138 = arith.addi %add3A_137, %iota3A : vector<16xi32>
    %and3A_139 = arith.constant 1 : i32
    %and3A_140 = vector.broadcast %and3A_139 : i32 to vector<16xi32>
    %and3A_141 = arith.andi %iota3A, %and3A_140 : vector<16xi32>
    %shift_right_arithmetic3A_142 = arith.constant 1 : i32
    %shift_right_arithmetic3A_143 = vector.broadcast %shift_right_arithmetic3A_142 : i32 to vector<16xi32>
    %shift_right_arithmetic3A_144 = arith.shrsi %add3A_138, %shift_right_arithmetic3A_143 : vector<16xi32>
    %jit3A_145 = arith.constant 17 : i32
    %div3A_146 = vector.broadcast %jit3A_145 : i32 to vector<16xi32>
    %div3A_147 = arith.divsi %shift_right_arithmetic3A_144, %div3A_146 : vector<16xi32>
    %sign3A_148 = arith.constant 0 : i32
    %sign3A_149 = vector.broadcast %sign3A_148 : i32 to vector<16xi32>
    %sign3A_150 = arith.cmpi sgt, %shift_right_arithmetic3A_144, %sign3A_149 : vector<16xi32>
    %sign3A_151 = arith.extui %sign3A_150 : vector<16xi1> to vector<16xi32>
    %sign3A_152 = arith.constant 0 : i32
    %sign3A_153 = vector.broadcast %sign3A_152 : i32 to vector<16xi32>
    %sign3A_154 = arith.cmpi slt, %shift_right_arithmetic3A_144, %sign3A_153 : vector<16xi32>
    %sign3A_155 = arith.extui %sign3A_154 : vector<16xi1> to vector<16xi32>
    %sign3A_156 = arith.subi %sign3A_151, %sign3A_155 : vector<16xi32>
    %sign3A_157 = arith.constant 0 : i32
    %sign3A_158 = arith.cmpi sgt, %jit3A_145, %sign3A_157 : i32
    %sign3A_159 = arith.extui %sign3A_158 : i1 to i32
    %sign3A_160 = arith.constant 0 : i32
    %sign3A_161 = arith.cmpi slt, %jit3A_145, %sign3A_160 : i32
    %sign3A_162 = arith.extui %sign3A_161 : i1 to i32
    %sign3A_163 = arith.subi %sign3A_159, %sign3A_162 : i32
    %ne3A_164 = vector.broadcast %sign3A_163 : i32 to vector<16xi32>
    %ne3A_165 = arith.cmpi ne, %sign3A_156, %ne3A_164 : vector<16xi32>
    %rem3A_166 = vector.broadcast %jit3A_145 : i32 to vector<16xi32>
    %rem3A_167 = arith.remsi %shift_right_arithmetic3A_144, %rem3A_166 : vector<16xi32>
    %ne3A_168 = arith.constant 0 : i32
    %ne3A_169 = vector.broadcast %ne3A_168 : i32 to vector<16xi32>
    %ne3A_170 = arith.cmpi ne, %rem3A_167, %ne3A_169 : vector<16xi32>
    %and3A_171 = arith.andi %ne3A_165, %ne3A_170 : vector<16xi1>
    %sub3A_172 = arith.constant 1 : i32
    %sub3A_173 = vector.broadcast %sub3A_172 : i32 to vector<16xi32>
    %sub3A_174 = arith.subi %div3A_147, %sub3A_173 : vector<16xi32>
    %select_n3A_175 = arith.select %and3A_171, %sub3A_174, %div3A_147 : vector<16xi1>, vector<16xi32>
    %or3A_176 = arith.constant 1 : i32
    %or3A_177 = vector.broadcast %or3A_176 : i32 to vector<16xi32>
    %or3A_178 = arith.ori %add3A_138, %or3A_177 : vector<16xi32>
    %add3A_179 = arith.constant 1088 : i32
    %add3A_180 = vector.broadcast %add3A_179 : i32 to vector<16xi32>
    %add3A_181 = arith.addi %add3A_180, %or3A_178 : vector<16xi32>
    %gather3A_182 = tpu.vector_load_idx %arg5[%add3A_181] : memref<2176xi32, #tpu.memory_space<vmem>>[vector<16xi32>], vector<16xi32>,
    %and3A_183 = arith.constant -2 : i32
    %and3A_184 = vector.broadcast %and3A_183 : i32 to vector<16xi32>
    %and3A_185 = arith.andi %add3A_138, %and3A_184 : vector<16xi32>
    %add3A_186 = arith.constant 1088 : i32
    %add3A_187 = vector.broadcast %add3A_186 : i32 to vector<16xi32>
    %add3A_188 = arith.addi %add3A_187, %and3A_185 : vector<16xi32>
    %gather3A_189 = tpu.vector_load_idx %arg5[%add3A_188] : memref<2176xi32, #tpu.memory_space<vmem>>[vector<16xi32>], vector<16xi32>,
    %mul3A_190 = arith.constant 512 : i32
    %mul3A_191 = vector.broadcast %mul3A_190 : i32 to vector<16xi32>
    %mul3A_192 = arith.muli %select_n3A_175, %mul3A_191 : vector<16xi32>
    %mul3A_193 = arith.constant 256 : i32
    %mul3A_194 = vector.broadcast %mul3A_193 : i32 to vector<16xi32>
    %mul3A_195 = arith.muli %and3A_141, %mul3A_194 : vector<16xi32>
    %add3A_196 = arith.addi %mul3A_192, %mul3A_195 : vector<16xi32>
    %add3A_197 = arith.addi %add3A_196, %gather3A_182 : vector<16xi32>
    %swap3A_198 = arith.constant 32 : index
    %swap3A_199 = tpu.vector_load %arg6[%swap3A_198] {strides = array<i32>} : memref<80xi32, #tpu.memory_space<vmem>>, vector<16xi32>,
    tpu.vector_store %arg6[%swap3A_198], %add3A_197 {strides = array<i32>} : memref<80xi32, #tpu.memory_space<vmem>>, vector<16xi32>,
    %mul3A_200 = arith.constant 5 : i32
    %mul3A_201 = arith.muli %arg1, %mul3A_200 : i32
    %add3A_202 = arith.constant 3 : i32
    %add3A_203 = arith.addi %mul3A_201, %add3A_202 : i32
    %min3A_204 = arith.constant 67 : i32
    %min3A_205 = arith.minsi %add3A_203, %min3A_204 : i32
    %mul3A_206 = arith.constant 16 : i32
    %mul3A_207 = arith.muli %min3A_205, %mul3A_206 : i32
    %add3A_208 = vector.broadcast %mul3A_207 : i32 to vector<16xi32>
    %add3A_209 = arith.addi %add3A_208, %iota3A : vector<16xi32>
    %and3A_210 = arith.constant 1 : i32
    %and3A_211 = vector.broadcast %and3A_210 : i32 to vector<16xi32>
    %and3A_212 = arith.andi %iota3A, %and3A_211 : vector<16xi32>
    %shift_right_arithmetic3A_213 = arith.constant 1 : i32
    %shift_right_arithmetic3A_214 = vector.broadcast %shift_right_arithmetic3A_213 : i32 to vector<16xi32>
    %shift_right_arithmetic3A_215 = arith.shrsi %add3A_209, %shift_right_arithmetic3A_214 : vector<16xi32>
    %jit3A_216 = arith.constant 17 : i32
    %div3A_217 = vector.broadcast %jit3A_216 : i32 to vector<16xi32>
    %div3A_218 = arith.divsi %shift_right_arithmetic3A_215, %div3A_217 : vector<16xi32>
    %sign3A_219 = arith.constant 0 : i32
    %sign3A_220 = vector.broadcast %sign3A_219 : i32 to vector<16xi32>
    %sign3A_221 = arith.cmpi sgt, %shift_right_arithmetic3A_215, %sign3A_220 : vector<16xi32>
    %sign3A_222 = arith.extui %sign3A_221 : vector<16xi1> to vector<16xi32>
    %sign3A_223 = arith.constant 0 : i32
    %sign3A_224 = vector.broadcast %sign3A_223 : i32 to vector<16xi32>
    %sign3A_225 = arith.cmpi slt, %shift_right_arithmetic3A_215, %sign3A_224 : vector<16xi32>
    %sign3A_226 = arith.extui %sign3A_225 : vector<16xi1> to vector<16xi32>
    %sign3A_227 = arith.subi %sign3A_222, %sign3A_226 : vector<16xi32>
    %sign3A_228 = arith.constant 0 : i32
    %sign3A_229 = arith.cmpi sgt, %jit3A_216, %sign3A_228 : i32
    %sign3A_230 = arith.extui %sign3A_229 : i1 to i32
    %sign3A_231 = arith.constant 0 : i32
    %sign3A_232 = arith.cmpi slt, %jit3A_216, %sign3A_231 : i32
    %sign3A_233 = arith.extui %sign3A_232 : i1 to i32
    %sign3A_234 = arith.subi %sign3A_230, %sign3A_233 : i32
    %ne3A_235 = vector.broadcast %sign3A_234 : i32 to vector<16xi32>
    %ne3A_236 = arith.cmpi ne, %sign3A_227, %ne3A_235 : vector<16xi32>
    %rem3A_237 = vector.broadcast %jit3A_216 : i32 to vector<16xi32>
    %rem3A_238 = arith.remsi %shift_right_arithmetic3A_215, %rem3A_237 : vector<16xi32>
    %ne3A_239 = arith.constant 0 : i32
    %ne3A_240 = vector.broadcast %ne3A_239 : i32 to vector<16xi32>
    %ne3A_241 = arith.cmpi ne, %rem3A_238, %ne3A_240 : vector<16xi32>
    %and3A_242 = arith.andi %ne3A_236, %ne3A_241 : vector<16xi1>
    %sub3A_243 = arith.constant 1 : i32
    %sub3A_244 = vector.broadcast %sub3A_243 : i32 to vector<16xi32>
    %sub3A_245 = arith.subi %div3A_218, %sub3A_244 : vector<16xi32>
    %select_n3A_246 = arith.select %and3A_242, %sub3A_245, %div3A_218 : vector<16xi1>, vector<16xi32>
    %or3A_247 = arith.constant 1 : i32
    %or3A_248 = vector.broadcast %or3A_247 : i32 to vector<16xi32>
    %or3A_249 = arith.ori %add3A_209, %or3A_248 : vector<16xi32>
    %add3A_250 = arith.constant 1088 : i32
    %add3A_251 = vector.broadcast %add3A_250 : i32 to vector<16xi32>
    %add3A_252 = arith.addi %add3A_251, %or3A_249 : vector<16xi32>
    %gather3A_253 = tpu.vector_load_idx %arg5[%add3A_252] : memref<2176xi32, #tpu.memory_space<vmem>>[vector<16xi32>], vector<16xi32>,
    %and3A_254 = arith.constant -2 : i32
    %and3A_255 = vector.broadcast %and3A_254 : i32 to vector<16xi32>
    %and3A_256 = arith.andi %add3A_209, %and3A_255 : vector<16xi32>
    %add3A_257 = arith.constant 1088 : i32
    %add3A_258 = vector.broadcast %add3A_257 : i32 to vector<16xi32>
    %add3A_259 = arith.addi %add3A_258, %and3A_256 : vector<16xi32>
    %gather3A_260 = tpu.vector_load_idx %arg5[%add3A_259] : memref<2176xi32, #tpu.memory_space<vmem>>[vector<16xi32>], vector<16xi32>,
    %mul3A_261 = arith.constant 512 : i32
    %mul3A_262 = vector.broadcast %mul3A_261 : i32 to vector<16xi32>
    %mul3A_263 = arith.muli %select_n3A_246, %mul3A_262 : vector<16xi32>
    %mul3A_264 = arith.constant 256 : i32
    %mul3A_265 = vector.broadcast %mul3A_264 : i32 to vector<16xi32>
    %mul3A_266 = arith.muli %and3A_212, %mul3A_265 : vector<16xi32>
    %add3A_267 = arith.addi %mul3A_263, %mul3A_266 : vector<16xi32>
    %add3A_268 = arith.addi %add3A_267, %gather3A_253 : vector<16xi32>
    %swap3A_269 = arith.constant 48 : index
    %swap3A_270 = tpu.vector_load %arg6[%swap3A_269] {strides = array<i32>} : memref<80xi32, #tpu.memory_space<vmem>>, vector<16xi32>,
    tpu.vector_store %arg6[%swap3A_269], %add3A_268 {strides = array<i32>} : memref<80xi32, #tpu.memory_space<vmem>>, vector<16xi32>,
    %mul3A_271 = arith.constant 5 : i32
    %mul3A_272 = arith.muli %arg1, %mul3A_271 : i32
    %add3A_273 = arith.constant 4 : i32
    %add3A_274 = arith.addi %mul3A_272, %add3A_273 : i32
    %min3A_275 = arith.constant 67 : i32
    %min3A_276 = arith.minsi %add3A_274, %min3A_275 : i32
    %mul3A_277 = arith.constant 16 : i32
    %mul3A_278 = arith.muli %min3A_276, %mul3A_277 : i32
    %add3A_279 = vector.broadcast %mul3A_278 : i32 to vector<16xi32>
    %add3A_280 = arith.addi %add3A_279, %iota3A : vector<16xi32>
    %and3A_281 = arith.constant 1 : i32
    %and3A_282 = vector.broadcast %and3A_281 : i32 to vector<16xi32>
    %and3A_283 = arith.andi %iota3A, %and3A_282 : vector<16xi32>
    %shift_right_arithmetic3A_284 = arith.constant 1 : i32
    %shift_right_arithmetic3A_285 = vector.broadcast %shift_right_arithmetic3A_284 : i32 to vector<16xi32>
    %shift_right_arithmetic3A_286 = arith.shrsi %add3A_280, %shift_right_arithmetic3A_285 : vector<16xi32>
    %jit3A_287 = arith.constant 17 : i32
    %div3A_288 = vector.broadcast %jit3A_287 : i32 to vector<16xi32>
    %div3A_289 = arith.divsi %shift_right_arithmetic3A_286, %div3A_288 : vector<16xi32>
    %sign3A_290 = arith.constant 0 : i32
    %sign3A_291 = vector.broadcast %sign3A_290 : i32 to vector<16xi32>
    %sign3A_292 = arith.cmpi sgt, %shift_right_arithmetic3A_286, %sign3A_291 : vector<16xi32>
    %sign3A_293 = arith.extui %sign3A_292 : vector<16xi1> to vector<16xi32>
    %sign3A_294 = arith.constant 0 : i32
    %sign3A_295 = vector.broadcast %sign3A_294 : i32 to vector<16xi32>
    %sign3A_296 = arith.cmpi slt, %shift_right_arithmetic3A_286, %sign3A_295 : vector<16xi32>
    %sign3A_297 = arith.extui %sign3A_296 : vector<16xi1> to vector<16xi32>
    %sign3A_298 = arith.subi %sign3A_293, %sign3A_297 : vector<16xi32>
    %sign3A_299 = arith.constant 0 : i32
    %sign3A_300 = arith.cmpi sgt, %jit3A_287, %sign3A_299 : i32
    %sign3A_301 = arith.extui %sign3A_300 : i1 to i32
    %sign3A_302 = arith.constant 0 : i32
    %sign3A_303 = arith.cmpi slt, %jit3A_287, %sign3A_302 : i32
    %sign3A_304 = arith.extui %sign3A_303 : i1 to i32
    %sign3A_305 = arith.subi %sign3A_301, %sign3A_304 : i32
    %ne3A_306 = vector.broadcast %sign3A_305 : i32 to vector<16xi32>
    %ne3A_307 = arith.cmpi ne, %sign3A_298, %ne3A_306 : vector<16xi32>
    %rem3A_308 = vector.broadcast %jit3A_287 : i32 to vector<16xi32>
    %rem3A_309 = arith.remsi %shift_right_arithmetic3A_286, %rem3A_308 : vector<16xi32>
    %ne3A_310 = arith.constant 0 : i32
    %ne3A_311 = vector.broadcast %ne3A_310 : i32 to vector<16xi32>
    %ne3A_312 = arith.cmpi ne, %rem3A_309, %ne3A_311 : vector<16xi32>
    %and3A_313 = arith.andi %ne3A_307, %ne3A_312 : vector<16xi1>
    %sub3A_314 = arith.constant 1 : i32
    %sub3A_315 = vector.broadcast %sub3A_314 : i32 to vector<16xi32>
    %sub3A_316 = arith.subi %div3A_289, %sub3A_315 : vector<16xi32>
    %select_n3A_317 = arith.select %and3A_313, %sub3A_316, %div3A_289 : vector<16xi1>, vector<16xi32>
    %or3A_318 = arith.constant 1 : i32
    %or3A_319 = vector.broadcast %or3A_318 : i32 to vector<16xi32>
    %or3A_320 = arith.ori %add3A_280, %or3A_319 : vector<16xi32>
    %add3A_321 = arith.constant 1088 : i32
    %add3A_322 = vector.broadcast %add3A_321 : i32 to vector<16xi32>
    %add3A_323 = arith.addi %add3A_322, %or3A_320 : vector<16xi32>
    %gather3A_324 = tpu.vector_load_idx %arg5[%add3A_323] : memref<2176xi32, #tpu.memory_space<vmem>>[vector<16xi32>], vector<16xi32>,
    %and3A_325 = arith.constant -2 : i32
    %and3A_326 = vector.broadcast %and3A_325 : i32 to vector<16xi32>
    %and3A_327 = arith.andi %add3A_280, %and3A_326 : vector<16xi32>
    %add3A_328 = arith.constant 1088 : i32
    %add3A_329 = vector.broadcast %add3A_328 : i32 to vector<16xi32>
    %add3A_330 = arith.addi %add3A_329, %and3A_327 : vector<16xi32>
    %gather3A_331 = tpu.vector_load_idx %arg5[%add3A_330] : memref<2176xi32, #tpu.memory_space<vmem>>[vector<16xi32>], vector<16xi32>,
    %mul3A_332 = arith.constant 512 : i32
    %mul3A_333 = vector.broadcast %mul3A_332 : i32 to vector<16xi32>
    %mul3A_334 = arith.muli %select_n3A_317, %mul3A_333 : vector<16xi32>
    %mul3A_335 = arith.constant 256 : i32
    %mul3A_336 = vector.broadcast %mul3A_335 : i32 to vector<16xi32>
    %mul3A_337 = arith.muli %and3A_283, %mul3A_336 : vector<16xi32>
    %add3A_338 = arith.addi %mul3A_334, %mul3A_337 : vector<16xi32>
    %add3A_339 = arith.addi %add3A_338, %gather3A_324 : vector<16xi32>
    %swap3A_340 = arith.constant 64 : index
    %swap3A_341 = tpu.vector_load %arg6[%swap3A_340] {strides = array<i32>} : memref<80xi32, #tpu.memory_space<vmem>>, vector<16xi32>,
    tpu.vector_store %arg6[%swap3A_340], %add3A_339 {strides = array<i32>} : memref<80xi32, #tpu.memory_space<vmem>>, vector<16xi32>,
    %dma_start3A = arith.constant 0 : i32
    %dma_start3A_342 = arith.constant 0 : i32
    %dma_start3A_343 = tpu.memref_slice %arg7[%dma_start3A, %dma_start3A_342] : memref<80x256xf32, #tpu.memory_space<vmem>> -> memref<48x256xf32, #tpu.memory_space<vmem>>
    %dma_start3A_344 = arith.constant 0 : i32
    %dma_start3A_345 = tpu.memref_slice %arg6[%dma_start3A_344] : memref<80xi32, #tpu.memory_space<vmem>> -> memref<48xi32, #tpu.memory_space<vmem>>
    %dma_start3A_346 = tpu.memref_reshape %arg2 : memref<32x2x256x256xf32, #tpu.memory_space<hbm>> -> memref<16384x256xf32, #tpu.memory_space<hbm>>
    %dma_start3A_347 = arith.constant 0 : i32
    %dma_start3A_348 = arith.constant 0 : i32
    %dma_start3A_349 = tpu.memref_slice %dma_start3A_346[%dma_start3A_347, %dma_start3A_348] : memref<16384x256xf32, #tpu.memory_space<hbm>> -> memref<16384x256xf32, #tpu.memory_space<hbm>>
    tpu.enqueue_indirect_dma source(%dma_start3A_349 : memref<16384x256xf32, #tpu.memory_space<hbm>>) target(%dma_start3A_343 : memref<48x256xf32, #tpu.memory_space<vmem>>) offsets(%dma_start3A_345 : memref<48xi32, #tpu.memory_space<vmem>>) semaphore(%arg13 : memref<!tpu.dma_semaphore, #tpu.memory_space<semaphore_mem>>)
    %dma_start3A_350 = arith.constant 48 : i32
    %dma_start3A_351 = arith.constant 0 : i32
    %dma_start3A_352 = tpu.memref_slice %arg7[%dma_start3A_350, %dma_start3A_351] : memref<80x256xf32, #tpu.memory_space<vmem>> -> memref<32x256xf32, #tpu.memory_space<vmem>>
    %dma_start3A_353 = arith.constant 48 : i32
    %dma_start3A_354 = tpu.memref_slice %arg6[%dma_start3A_353] : memref<80xi32, #tpu.memory_space<vmem>> -> memref<32xi32, #tpu.memory_space<vmem>>
    %dma_start3A_355 = tpu.memref_reshape %arg2 : memref<32x2x256x256xf32, #tpu.memory_space<hbm>> -> memref<16384x256xf32, #tpu.memory_space<hbm>>
    %dma_start3A_356 = arith.constant 0 : i32
    %dma_start3A_357 = arith.constant 0 : i32
    %dma_start3A_358 = tpu.memref_slice %dma_start3A_355[%dma_start3A_356, %dma_start3A_357] : memref<16384x256xf32, #tpu.memory_space<hbm>> -> memref<16384x256xf32, #tpu.memory_space<hbm>>
    tpu.enqueue_indirect_dma source(%dma_start3A_358 : memref<16384x256xf32, #tpu.memory_space<hbm>>) target(%dma_start3A_352 : memref<32x256xf32, #tpu.memory_space<vmem>>) offsets(%dma_start3A_354 : memref<32xi32, #tpu.memory_space<vmem>>) semaphore(%arg14 : memref<!tpu.dma_semaphore, #tpu.memory_space<semaphore_mem>>)
    %mul3A_359 = arith.constant 5 : i32
    %mul3A_360 = arith.muli %arg1, %mul3A_359 : i32
    %add3A_361 = arith.constant 0 : i32
    %add3A_362 = arith.addi %mul3A_360, %add3A_361 : i32
    %min3A_363 = arith.constant 67 : i32
    %min3A_364 = arith.minsi %add3A_362, %min3A_363 : i32
    %mul3A_365 = arith.constant 16 : i32
    %mul3A_366 = arith.muli %min3A_364, %mul3A_365 : i32
    %add3A_367 = vector.broadcast %mul3A_366 : i32 to vector<16xi32>
    %add3A_368 = arith.addi %add3A_367, %iota3A : vector<16xi32>
    %gather3A_369 = tpu.vector_load_idx %arg5[%add3A_368] : memref<2176xi32, #tpu.memory_space<vmem>>[vector<16xi32>], vector<16xi32>,
    %bitcast3A = vector.bitcast %gather3A_369 : vector<16xi32> to vector<16xf32>
    %mul3A_370 = arith.constant 5 : i32
    %mul3A_371 = arith.muli %arg1, %mul3A_370 : i32
    %add3A_372 = arith.constant 1 : i32
    %add3A_373 = arith.addi %mul3A_371, %add3A_372 : i32
    %min3A_374 = arith.constant 67 : i32
    %min3A_375 = arith.minsi %add3A_373, %min3A_374 : i32
    %mul3A_376 = arith.constant 16 : i32
    %mul3A_377 = arith.muli %min3A_375, %mul3A_376 : i32
    %add3A_378 = vector.broadcast %mul3A_377 : i32 to vector<16xi32>
    %add3A_379 = arith.addi %add3A_378, %iota3A : vector<16xi32>
    %gather3A_380 = tpu.vector_load_idx %arg5[%add3A_379] : memref<2176xi32, #tpu.memory_space<vmem>>[vector<16xi32>], vector<16xi32>,
    %bitcast3A_381 = vector.bitcast %gather3A_380 : vector<16xi32> to vector<16xf32>
    %mul3A_382 = arith.constant 5 : i32
    %mul3A_383 = arith.muli %arg1, %mul3A_382 : i32
    %add3A_384 = arith.constant 2 : i32
    %add3A_385 = arith.addi %mul3A_383, %add3A_384 : i32
    %min3A_386 = arith.constant 67 : i32
    %min3A_387 = arith.minsi %add3A_385, %min3A_386 : i32
    %mul3A_388 = arith.constant 16 : i32
    %mul3A_389 = arith.muli %min3A_387, %mul3A_388 : i32
    %add3A_390 = vector.broadcast %mul3A_389 : i32 to vector<16xi32>
    %add3A_391 = arith.addi %add3A_390, %iota3A : vector<16xi32>
    %gather3A_392 = tpu.vector_load_idx %arg5[%add3A_391] : memref<2176xi32, #tpu.memory_space<vmem>>[vector<16xi32>], vector<16xi32>,
    %bitcast3A_393 = vector.bitcast %gather3A_392 : vector<16xi32> to vector<16xf32>
    %mul3A_394 = arith.constant 5 : i32
    %mul3A_395 = arith.muli %arg1, %mul3A_394 : i32
    %add3A_396 = arith.constant 3 : i32
    %add3A_397 = arith.addi %mul3A_395, %add3A_396 : i32
    %min3A_398 = arith.constant 67 : i32
    %min3A_399 = arith.minsi %add3A_397, %min3A_398 : i32
    %mul3A_400 = arith.constant 16 : i32
    %mul3A_401 = arith.muli %min3A_399, %mul3A_400 : i32
    %add3A_402 = vector.broadcast %mul3A_401 : i32 to vector<16xi32>
    %add3A_403 = arith.addi %add3A_402, %iota3A : vector<16xi32>
    %gather3A_404 = tpu.vector_load_idx %arg5[%add3A_403] : memref<2176xi32, #tpu.memory_space<vmem>>[vector<16xi32>], vector<16xi32>,
    %bitcast3A_405 = vector.bitcast %gather3A_404 : vector<16xi32> to vector<16xf32>
    %mul3A_406 = arith.constant 5 : i32
    %mul3A_407 = arith.muli %arg1, %mul3A_406 : i32
    %add3A_408 = arith.constant 4 : i32
    %add3A_409 = arith.addi %mul3A_407, %add3A_408 : i32
    %min3A_410 = arith.constant 67 : i32
    %min3A_411 = arith.minsi %add3A_409, %min3A_410 : i32
    %mul3A_412 = arith.constant 16 : i32
    %mul3A_413 = arith.muli %min3A_411, %mul3A_412 : i32
    %add3A_414 = vector.broadcast %mul3A_413 : i32 to vector<16xi32>
    %add3A_415 = arith.addi %add3A_414, %iota3A : vector<16xi32>
    %gather3A_416 = tpu.vector_load_idx %arg5[%add3A_415] : memref<2176xi32, #tpu.memory_space<vmem>>[vector<16xi32>], vector<16xi32>,
    %bitcast3A_417 = vector.bitcast %gather3A_416 : vector<16xi32> to vector<16xf32>
    %broadcast_in_dim3A = arith.constant 0.000000e+00 : f32
    %broadcast_in_dim3A_418 = vector.broadcast %broadcast_in_dim3A : f32 to vector<16xf32>
    %dma_wait3A = arith.constant 0 : i32
    %dma_wait3A_419 = arith.constant 0 : i32
    %dma_wait3A_420 = tpu.memref_slice %arg7[%dma_wait3A, %dma_wait3A_419] : memref<80x256xf32, #tpu.memory_space<vmem>> -> memref<48x256xf32, #tpu.memory_space<vmem>>
    %dma_wait3A_421 = arith.constant 0 : i32
    %dma_wait3A_422 = tpu.memref_slice %arg6[%dma_wait3A_421] : memref<80xi32, #tpu.memory_space<vmem>> -> memref<48xi32, #tpu.memory_space<vmem>>
    %dma_wait3A_423 = tpu.memref_reshape %arg2 : memref<32x2x256x256xf32, #tpu.memory_space<hbm>> -> memref<16384x256xf32, #tpu.memory_space<hbm>>
    %dma_wait3A_424 = arith.constant 0 : i32
    %dma_wait3A_425 = arith.constant 0 : i32
    %dma_wait3A_426 = tpu.memref_slice %dma_wait3A_423[%dma_wait3A_424, %dma_wait3A_425] : memref<16384x256xf32, #tpu.memory_space<hbm>> -> memref<16384x256xf32, #tpu.memory_space<hbm>>
    tpu.wait_indirect_dma semaphore(%arg13 : memref<!tpu.dma_semaphore, #tpu.memory_space<semaphore_mem>>) src(%dma_wait3A_426 : memref<16384x256xf32, #tpu.memory_space<hbm>>) dst(%dma_wait3A_420 : memref<48x256xf32, #tpu.memory_space<vmem>>)
    %mul3A_427 = arith.constant 5 : i32
    %mul3A_428 = arith.muli %arg1, %mul3A_427 : i32
    %add3A_429 = arith.constant 0 : i32
    %add3A_430 = arith.addi %mul3A_428, %add3A_429 : i32
    %add3A_431 = arith.constant 0 : i32
    %add3A_432 = vector.broadcast %add3A_431 : i32 to vector<16xi32>
    %add3A_433 = arith.addi %add3A_432, %iota3A : vector<16xi32>
    %gather3A_434 = tpu.vector_load_idx %arg7[%add3A_433, %gather3A_48] : memref<80x256xf32, #tpu.memory_space<vmem>>[vector<16xi32>, vector<16xi32>], vector<16xf32>,
    %sub3A_435 = arith.subf %gather3A_434, %bitcast3A : vector<16xf32>
    %abs3A = math.absf %sub3A_435 : vector<16xf32>
    %lt3A = arith.constant 1.000000e+00 : f32
    %lt3A_436 = vector.broadcast %lt3A : f32 to vector<16xf32>
    %lt3A_437 = arith.cmpf olt, %abs3A, %lt3A_436 : vector<16xf32>
    %mul3A_438 = arith.constant 5.000000e-01 : f32
    %mul3A_439 = vector.broadcast %mul3A_438 : f32 to vector<16xf32>
    %mul3A_440 = arith.mulf %mul3A_439, %abs3A : vector<16xf32>
    %mul3A_441 = arith.mulf %mul3A_440, %abs3A : vector<16xf32>
    %sub3A_442 = arith.constant 5.000000e-01 : f32
    %sub3A_443 = vector.broadcast %sub3A_442 : f32 to vector<16xf32>
    %sub3A_444 = arith.subf %abs3A, %sub3A_443 : vector<16xf32>
    %select_n3A_445 = arith.select %lt3A_437, %mul3A_441, %sub3A_444 : vector<16xi1>, vector<16xf32>
    %broadcast_in_dim3A_446 = arith.constant 1 : i32
    %broadcast_in_dim3A_447 = vector.broadcast %broadcast_in_dim3A_446 : i32 to vector<16xi32>
    %mul3A_448 = vector.broadcast %add3A_430 : i32 to vector<16xi32>
    %mul3A_449 = arith.muli %mul3A_448, %broadcast_in_dim3A_447 : vector<16xi32>
    %lt3A_450 = arith.constant 68 : i32
    %lt3A_451 = vector.broadcast %lt3A_450 : i32 to vector<16xi32>
    %lt3A_452 = arith.cmpi slt, %mul3A_449, %lt3A_451 : vector<16xi32>
    %jit3A_453 = arith.constant 0.000000e+00 : f32
    %broadcast_in_dim3A_454 = vector.broadcast %jit3A_453 : f32 to vector<16xf32>
    %select_n3A_455 = arith.select %lt3A_452, %select_n3A_445, %broadcast_in_dim3A_454 : vector<16xi1>, vector<16xf32>
    %add3A_456 = arith.addf %broadcast_in_dim3A_418, %select_n3A_455 : vector<16xf32>
    %mul3A_457 = arith.constant 5 : i32
    %mul3A_458 = arith.muli %arg1, %mul3A_457 : i32
    %add3A_459 = arith.constant 1 : i32
    %add3A_460 = arith.addi %mul3A_458, %add3A_459 : i32
    %add3A_461 = arith.constant 16 : i32
    %add3A_462 = vector.broadcast %add3A_461 : i32 to vector<16xi32>
    %add3A_463 = arith.addi %add3A_462, %iota3A : vector<16xi32>
    %gather3A_464 = tpu.vector_load_idx %arg7[%add3A_463, %gather3A_118] : memref<80x256xf32, #tpu.memory_space<vmem>>[vector<16xi32>, vector<16xi32>], vector<16xf32>,
    %sub3A_465 = arith.subf %gather3A_464, %bitcast3A_381 : vector<16xf32>
    %abs3A_466 = math.absf %sub3A_465 : vector<16xf32>
    %lt3A_467 = arith.constant 1.000000e+00 : f32
    %lt3A_468 = vector.broadcast %lt3A_467 : f32 to vector<16xf32>
    %lt3A_469 = arith.cmpf olt, %abs3A_466, %lt3A_468 : vector<16xf32>
    %mul3A_470 = arith.constant 5.000000e-01 : f32
    %mul3A_471 = vector.broadcast %mul3A_470 : f32 to vector<16xf32>
    %mul3A_472 = arith.mulf %mul3A_471, %abs3A_466 : vector<16xf32>
    %mul3A_473 = arith.mulf %mul3A_472, %abs3A_466 : vector<16xf32>
    %sub3A_474 = arith.constant 5.000000e-01 : f32
    %sub3A_475 = vector.broadcast %sub3A_474 : f32 to vector<16xf32>
    %sub3A_476 = arith.subf %abs3A_466, %sub3A_475 : vector<16xf32>
    %select_n3A_477 = arith.select %lt3A_469, %mul3A_473, %sub3A_476 : vector<16xi1>, vector<16xf32>
    %broadcast_in_dim3A_478 = arith.constant 1 : i32
    %broadcast_in_dim3A_479 = vector.broadcast %broadcast_in_dim3A_478 : i32 to vector<16xi32>
    %mul3A_480 = vector.broadcast %add3A_460 : i32 to vector<16xi32>
    %mul3A_481 = arith.muli %mul3A_480, %broadcast_in_dim3A_479 : vector<16xi32>
    %lt3A_482 = arith.constant 68 : i32
    %lt3A_483 = vector.broadcast %lt3A_482 : i32 to vector<16xi32>
    %lt3A_484 = arith.cmpi slt, %mul3A_481, %lt3A_483 : vector<16xi32>
    %jit3A_485 = arith.constant 0.000000e+00 : f32
    %broadcast_in_dim3A_486 = vector.broadcast %jit3A_485 : f32 to vector<16xf32>
    %select_n3A_487 = arith.select %lt3A_484, %select_n3A_477, %broadcast_in_dim3A_486 : vector<16xi1>, vector<16xf32>
    %add3A_488 = arith.addf %add3A_456, %select_n3A_487 : vector<16xf32>
    %mul3A_489 = arith.constant 5 : i32
    %mul3A_490 = arith.muli %arg1, %mul3A_489 : i32
    %add3A_491 = arith.constant 2 : i32
    %add3A_492 = arith.addi %mul3A_490, %add3A_491 : i32
    %add3A_493 = arith.constant 32 : i32
    %add3A_494 = vector.broadcast %add3A_493 : i32 to vector<16xi32>
    %add3A_495 = arith.addi %add3A_494, %iota3A : vector<16xi32>
    %gather3A_496 = tpu.vector_load_idx %arg7[%add3A_495, %gather3A_189] : memref<80x256xf32, #tpu.memory_space<vmem>>[vector<16xi32>, vector<16xi32>], vector<16xf32>,
    %sub3A_497 = arith.subf %gather3A_496, %bitcast3A_393 : vector<16xf32>
    %abs3A_498 = math.absf %sub3A_497 : vector<16xf32>
    %lt3A_499 = arith.constant 1.000000e+00 : f32
    %lt3A_500 = vector.broadcast %lt3A_499 : f32 to vector<16xf32>
    %lt3A_501 = arith.cmpf olt, %abs3A_498, %lt3A_500 : vector<16xf32>
    %mul3A_502 = arith.constant 5.000000e-01 : f32
    %mul3A_503 = vector.broadcast %mul3A_502 : f32 to vector<16xf32>
    %mul3A_504 = arith.mulf %mul3A_503, %abs3A_498 : vector<16xf32>
    %mul3A_505 = arith.mulf %mul3A_504, %abs3A_498 : vector<16xf32>
    %sub3A_506 = arith.constant 5.000000e-01 : f32
    %sub3A_507 = vector.broadcast %sub3A_506 : f32 to vector<16xf32>
    %sub3A_508 = arith.subf %abs3A_498, %sub3A_507 : vector<16xf32>
    %select_n3A_509 = arith.select %lt3A_501, %mul3A_505, %sub3A_508 : vector<16xi1>, vector<16xf32>
    %broadcast_in_dim3A_510 = arith.constant 1 : i32
    %broadcast_in_dim3A_511 = vector.broadcast %broadcast_in_dim3A_510 : i32 to vector<16xi32>
    %mul3A_512 = vector.broadcast %add3A_492 : i32 to vector<16xi32>
    %mul3A_513 = arith.muli %mul3A_512, %broadcast_in_dim3A_511 : vector<16xi32>
    %lt3A_514 = arith.constant 68 : i32
    %lt3A_515 = vector.broadcast %lt3A_514 : i32 to vector<16xi32>
    %lt3A_516 = arith.cmpi slt, %mul3A_513, %lt3A_515 : vector<16xi32>
    %jit3A_517 = arith.constant 0.000000e+00 : f32
    %broadcast_in_dim3A_518 = vector.broadcast %jit3A_517 : f32 to vector<16xf32>
    %select_n3A_519 = arith.select %lt3A_516, %select_n3A_509, %broadcast_in_dim3A_518 : vector<16xi1>, vector<16xf32>
    %add3A_520 = arith.addf %add3A_488, %select_n3A_519 : vector<16xf32>
    %dma_wait3A_521 = arith.constant 48 : i32
    %dma_wait3A_522 = arith.constant 0 : i32
    %dma_wait3A_523 = tpu.memref_slice %arg7[%dma_wait3A_521, %dma_wait3A_522] : memref<80x256xf32, #tpu.memory_space<vmem>> -> memref<32x256xf32, #tpu.memory_space<vmem>>
    %dma_wait3A_524 = arith.constant 48 : i32
    %dma_wait3A_525 = tpu.memref_slice %arg6[%dma_wait3A_524] : memref<80xi32, #tpu.memory_space<vmem>> -> memref<32xi32, #tpu.memory_space<vmem>>
    %dma_wait3A_526 = tpu.memref_reshape %arg2 : memref<32x2x256x256xf32, #tpu.memory_space<hbm>> -> memref<16384x256xf32, #tpu.memory_space<hbm>>
    %dma_wait3A_527 = arith.constant 0 : i32
    %dma_wait3A_528 = arith.constant 0 : i32
    %dma_wait3A_529 = tpu.memref_slice %dma_wait3A_526[%dma_wait3A_527, %dma_wait3A_528] : memref<16384x256xf32, #tpu.memory_space<hbm>> -> memref<16384x256xf32, #tpu.memory_space<hbm>>
    tpu.wait_indirect_dma semaphore(%arg14 : memref<!tpu.dma_semaphore, #tpu.memory_space<semaphore_mem>>) src(%dma_wait3A_529 : memref<16384x256xf32, #tpu.memory_space<hbm>>) dst(%dma_wait3A_523 : memref<32x256xf32, #tpu.memory_space<vmem>>)
    %mul3A_530 = arith.constant 5 : i32
    %mul3A_531 = arith.muli %arg1, %mul3A_530 : i32
    %add3A_532 = arith.constant 3 : i32
    %add3A_533 = arith.addi %mul3A_531, %add3A_532 : i32
    %add3A_534 = arith.constant 48 : i32
    %add3A_535 = vector.broadcast %add3A_534 : i32 to vector<16xi32>
    %add3A_536 = arith.addi %add3A_535, %iota3A : vector<16xi32>
    %gather3A_537 = tpu.vector_load_idx %arg7[%add3A_536, %gather3A_260] : memref<80x256xf32, #tpu.memory_space<vmem>>[vector<16xi32>, vector<16xi32>], vector<16xf32>,
    %sub3A_538 = arith.subf %gather3A_537, %bitcast3A_405 : vector<16xf32>
    %abs3A_539 = math.absf %sub3A_538 : vector<16xf32>
    %lt3A_540 = arith.constant 1.000000e+00 : f32
    %lt3A_541 = vector.broadcast %lt3A_540 : f32 to vector<16xf32>
    %lt3A_542 = arith.cmpf olt, %abs3A_539, %lt3A_541 : vector<16xf32>
    %mul3A_543 = arith.constant 5.000000e-01 : f32
    %mul3A_544 = vector.broadcast %mul3A_543 : f32 to vector<16xf32>
    %mul3A_545 = arith.mulf %mul3A_544, %abs3A_539 : vector<16xf32>
    %mul3A_546 = arith.mulf %mul3A_545, %abs3A_539 : vector<16xf32>
    %sub3A_547 = arith.constant 5.000000e-01 : f32
    %sub3A_548 = vector.broadcast %sub3A_547 : f32 to vector<16xf32>
    %sub3A_549 = arith.subf %abs3A_539, %sub3A_548 : vector<16xf32>
    %select_n3A_550 = arith.select %lt3A_542, %mul3A_546, %sub3A_549 : vector<16xi1>, vector<16xf32>
    %broadcast_in_dim3A_551 = arith.constant 1 : i32
    %broadcast_in_dim3A_552 = vector.broadcast %broadcast_in_dim3A_551 : i32 to vector<16xi32>
    %mul3A_553 = vector.broadcast %add3A_533 : i32 to vector<16xi32>
    %mul3A_554 = arith.muli %mul3A_553, %broadcast_in_dim3A_552 : vector<16xi32>
    %lt3A_555 = arith.constant 68 : i32
    %lt3A_556 = vector.broadcast %lt3A_555 : i32 to vector<16xi32>
    %lt3A_557 = arith.cmpi slt, %mul3A_554, %lt3A_556 : vector<16xi32>
    %jit3A_558 = arith.constant 0.000000e+00 : f32
    %broadcast_in_dim3A_559 = vector.broadcast %jit3A_558 : f32 to vector<16xf32>
    %select_n3A_560 = arith.select %lt3A_557, %select_n3A_550, %broadcast_in_dim3A_559 : vector<16xi1>, vector<16xf32>
    %add3A_561 = arith.addf %add3A_520, %select_n3A_560 : vector<16xf32>
    %mul3A_562 = arith.constant 5 : i32
    %mul3A_563 = arith.muli %arg1, %mul3A_562 : i32
    %add3A_564 = arith.constant 4 : i32
    %add3A_565 = arith.addi %mul3A_563, %add3A_564 : i32
    %add3A_566 = arith.constant 64 : i32
    %add3A_567 = vector.broadcast %add3A_566 : i32 to vector<16xi32>
    %add3A_568 = arith.addi %add3A_567, %iota3A : vector<16xi32>
    %gather3A_569 = tpu.vector_load_idx %arg7[%add3A_568, %gather3A_331] : memref<80x256xf32, #tpu.memory_space<vmem>>[vector<16xi32>, vector<16xi32>], vector<16xf32>,
    %sub3A_570 = arith.subf %gather3A_569, %bitcast3A_417 : vector<16xf32>
    %abs3A_571 = math.absf %sub3A_570 : vector<16xf32>
    %lt3A_572 = arith.constant 1.000000e+00 : f32
    %lt3A_573 = vector.broadcast %lt3A_572 : f32 to vector<16xf32>
    %lt3A_574 = arith.cmpf olt, %abs3A_571, %lt3A_573 : vector<16xf32>
    %mul3A_575 = arith.constant 5.000000e-01 : f32
    %mul3A_576 = vector.broadcast %mul3A_575 : f32 to vector<16xf32>
    %mul3A_577 = arith.mulf %mul3A_576, %abs3A_571 : vector<16xf32>
    %mul3A_578 = arith.mulf %mul3A_577, %abs3A_571 : vector<16xf32>
    %sub3A_579 = arith.constant 5.000000e-01 : f32
    %sub3A_580 = vector.broadcast %sub3A_579 : f32 to vector<16xf32>
    %sub3A_581 = arith.subf %abs3A_571, %sub3A_580 : vector<16xf32>
    %select_n3A_582 = arith.select %lt3A_574, %mul3A_578, %sub3A_581 : vector<16xi1>, vector<16xf32>
    %broadcast_in_dim3A_583 = arith.constant 1 : i32
    %broadcast_in_dim3A_584 = vector.broadcast %broadcast_in_dim3A_583 : i32 to vector<16xi32>
    %mul3A_585 = vector.broadcast %add3A_565 : i32 to vector<16xi32>
    %mul3A_586 = arith.muli %mul3A_585, %broadcast_in_dim3A_584 : vector<16xi32>
    %lt3A_587 = arith.constant 68 : i32
    %lt3A_588 = vector.broadcast %lt3A_587 : i32 to vector<16xi32>
    %lt3A_589 = arith.cmpi slt, %mul3A_586, %lt3A_588 : vector<16xi32>
    %jit3A_590 = arith.constant 0.000000e+00 : f32
    %broadcast_in_dim3A_591 = vector.broadcast %jit3A_590 : f32 to vector<16xf32>
    %select_n3A_592 = arith.select %lt3A_589, %select_n3A_582, %broadcast_in_dim3A_591 : vector<16xi1>, vector<16xf32>
    %add3A_593 = arith.addf %add3A_561, %select_n3A_592 : vector<16xf32>
    %swap3A_594 = arith.constant 0 : index
    %swap3A_595 = tpu.vector_load %arg8[%swap3A_594] {strides = array<i32>} : memref<16xf32, #tpu.memory_space<vmem>>, vector<16xf32>,
    tpu.vector_store %arg8[%swap3A_594], %add3A_593 {strides = array<i32>} : memref<16xf32, #tpu.memory_space<vmem>>, vector<16xf32>,
    %barrier3A = arith.constant 0 : index
    tpu.barrier barrier_id(%barrier3A)
    "tpu.region"() ({
      %run_scoped3A = tpu.sem_alloc : memref<!tpu.dma_semaphore, #tpu.memory_space<semaphore_mem>>
      %dma_start3A_602 = arith.constant 0 : i32
      %dma_start3A_603 = tpu.memref_slice %arg11[%dma_start3A_602] : memref<16xf32, #tpu.memory_space<vmem_shared>> -> memref<16xf32, #tpu.memory_space<vmem_shared>>
      tpu.enqueue_indirect_dma source(%arg8 : memref<16xf32, #tpu.memory_space<vmem>>) target(%dma_start3A_603 : memref<16xf32, #tpu.memory_space<vmem_shared>>) offsets(%iota3A : vector<16xi32>) semaphore(%run_scoped3A : memref<!tpu.dma_semaphore, #tpu.memory_space<semaphore_mem>>) {add = true}
      %dma_wait3A_604 = arith.constant 0 : i32
      %dma_wait3A_605 = tpu.memref_slice %arg11[%dma_wait3A_604] : memref<16xf32, #tpu.memory_space<vmem_shared>> -> memref<16xf32, #tpu.memory_space<vmem_shared>>
      tpu.wait_indirect_dma semaphore(%run_scoped3A : memref<!tpu.dma_semaphore, #tpu.memory_space<semaphore_mem>>) src(%arg8 : memref<16xf32, #tpu.memory_space<vmem>>) dst(%dma_wait3A_605 : memref<16xf32, #tpu.memory_space<vmem_shared>>)
      tpu.yield
    }) : () -> ()
    %barrier3A_596 = arith.constant 0 : index
    tpu.barrier barrier_id(%barrier3A_596)
    %eq3A_597 = arith.constant 0 : i32
    %eq3A_598 = arith.cmpi eq, %arg1, %eq3A_597 : i32
    %convert_element_type3A_599 = arith.extui %eq3A_598 : i1 to i32
    %cond3A_600 = arith.constant 0 : i32
    %cond3A_601 = arith.cmpi ne, %convert_element_type3A_599, %cond3A_600 : i32
    scf.if %cond3A_601 {
      "tpu.region"() ({
        %run_scoped3A = tpu.sem_alloc : memref<!tpu.dma_semaphore, #tpu.memory_space<semaphore_mem>>
        tpu.enqueue_dma source(%arg11 : memref<16xf32, #tpu.memory_space<vmem_shared>>) target(%arg9 : memref<16xf32, #tpu.memory_space<vmem>>) target_semaphore(%run_scoped3A : memref<!tpu.dma_semaphore, #tpu.memory_space<semaphore_mem>>)
        tpu.wait_dma2 semaphore(%run_scoped3A : memref<!tpu.dma_semaphore, #tpu.memory_space<semaphore_mem>>) src(%arg11 : memref<16xf32, #tpu.memory_space<vmem_shared>>) dst(%arg9 : memref<16xf32, #tpu.memory_space<vmem>>)
        tpu.yield
      }) : () -> ()
      %get3A = arith.constant 0 : index
      %get3A_602 = tpu.vector_load %arg9[%get3A] {strides = array<i32>} : memref<16xf32, #tpu.memory_space<vmem>>, vector<16xf32>,
      %reduce_sum3A = arith.constant true
      %reduce_sum3A_603 = vector.broadcast %reduce_sum3A : i1 to vector<16xi1>
      %reduce_sum3A_604 = tpu.scan <sum>, %get3A_602 masked %reduce_sum3A_603 : vector<16xf32>, vector<16xi1> -> vector<16xf32>
      %reduce_sum3A_605 = vector.extract %reduce_sum3A_604[15] : f32 from vector<16xf32>
      %mul3A_606 = arith.constant 9.1911765E-4 : f32
      %mul3A_607 = arith.mulf %reduce_sum3A_605, %mul3A_606 : f32
      %broadcast_in_dim3A_608 = vector.broadcast %mul3A_607 : f32 to vector<16xf32>
      %swap3A_609 = arith.constant 0 : index
      %swap3A_610 = tpu.vector_load %arg10[%swap3A_609] {strides = array<i32>} : memref<16xf32, #tpu.memory_space<vmem>>, vector<16xf32>,
      tpu.vector_store %arg10[%swap3A_609], %broadcast_in_dim3A_608 {strides = array<i32>} : memref<16xf32, #tpu.memory_space<vmem>>, vector<16xf32>,
      "tpu.region"() ({
        %run_scoped3A = tpu.sem_alloc : memref<!tpu.dma_semaphore, #tpu.memory_space<semaphore_mem>>
        tpu.enqueue_dma source(%arg10 : memref<16xf32, #tpu.memory_space<vmem>>) target(%arg4 : memref<16xf32, #tpu.memory_space<hbm>>) target_semaphore(%run_scoped3A : memref<!tpu.dma_semaphore, #tpu.memory_space<semaphore_mem>>)
        tpu.wait_dma2 semaphore(%run_scoped3A : memref<!tpu.dma_semaphore, #tpu.memory_space<semaphore_mem>>) src(%arg10 : memref<16xf32, #tpu.memory_space<vmem>>) dst(%arg4 : memref<16xf32, #tpu.memory_space<hbm>>)
        tpu.yield
      }) : () -> ()
    } else {
    }
    return
  }
}

</mosaic_0001>

<sc_bundles>
// kernel: smooth_l1_gather.3.cloned.1.call-start
scs
__scs_entry_jumppad:
0x0: {  	(pc) =	sbr.rel $0x88, $3  }
0x1: {  	(tag) =	ssettag $0x0;
	lr =	simm.s32 $0x1  }
0x2: {  	[smem:$0x3F9F] =	sst lr;
	_ =	strace $0xD0000000  }
0x3: {  	_ = 	snop  }
0x4: {  	_ = 	snop  }
0x5: {  	_ = 	snop  }
0x6: {  	_ = 	snop  }
0x7: {  	_ = 	snop  }
__scs_overlays_trampoline_lowered:
0x8: {  	[smem:$0x3FAE] =	sst s0  }
0x9: {  	[smem:$0x3FAF] =	sst s1  }
0xa: {  	[smem:$0x3FB0] =	sst s2  }
0xb: {  	[smem:$0x3FB1] =	sst s3  }
0xc: {  	[smem:$0x3FB2] =	sst s4  }
0xd: {  	[smem:$0x3FB3] =	sst s5  }
0xe: {  	[smem:$0x3FB4] =	sst s6  }
0xf: {  	[smem:$0x3FB5] =	sst s7  }
0x10: {  	[smem:$0x3FB6] =	sst s8  }
0x11: {  	[smem:$0x3FB7] =	sst s9;
	s0 =	simm.s32 @!p0 $0x0  }
0x12: {  	s1 =	sld [smem:$0x3F9D];
	s0 =	simm.s32 @p0 $0x1  }
0x13: {  	[smem:$0x3FB8] =	sst s0;
	s0 =	simm.s32 @!p1 $0x0  }
0x14: {  	s2 =	sld [smem:$0x3F9C];
	s0 =	simm.s32 @p1 $0x1  }
0x15: {  	[smem:$0x3FB9] =	sst s0;
	s0 =	simm.s32 @!p2 $0x0  }
0x16: {  	s3 =	sld [smem:$0x3FDB];
	s0 =	simm.s32 @p2 $0x1  }
0x17: {  	s4 =	simm.s32 $0x1BF5;
	[smem:$0x3FBB] =	sst s0  }
0x18: {  	s0 =	sld [smem:$0x3F9E];
	_ =	swait.ge [sflag:s4], $0x0  }
0x19: {  	s7 =	sld [smem:$0x3F9F]  }
0x1a: {  	s8 =	sadd.s32 $0xFFFFE003, lr  }
0x1b: {  	s9 =	sadd.s32 $0xFFFFFEF7, lr;
	s5 =	simm.s32 $0xFFFFFFFF;
	p2 =	slt.u32 s8, $0xFFFFF086  }
0x1c: {  	p1 =	slt.u32 s9, $0xF7A;
	s5 =	simm.s32 @!p2 $0x0  }
0x1d: {  	s5 =	simm.s32 @p1 $0x1;
	p0 =	seq.s32 s7, s2  }
0x1e: {  	s7 =	smul.u32 @!p0 $0xF7A, s2;
	p2 =	seq.s32 @!p0 s5, $0x0  }
0x1f: {  	s9 =	smul.u32 $0xF7A, s1;
	s8 =	simm.s32 @!p0 $0x1BF5;
	p2 =	por !p2, p0  }
0x20: {  	[sflag:s8] =	ssyncset.s32 @!p0 $0xFFFFF086;
	s6 =	sadd.s32 @!p0 s3, s7;
	s7 =	simm.s32 @!p0 $0x108  }
0x21: {  	s3 =	sadd.s32 s3, s9;
	s6 =	sadd.s32 @!p0 $0x88, s6;
	s7 =	simm.s32 @p2 $0x1082  }
0x22: {  	[simem:s7], [sflag:s8] =	dma.local @!p0 [hbm:s6], $0xF7A  }
0x23: {  	s9 =	sor.u32 $0xD0000000, s2;
	s6 =	simm.s32 $0x108;
	_ =	swait.ge @!p0 [sflag:s8], $0x0  }
0x24: {  	s3 =	sadd.s32 $0x88, s3;
	s6 =	simm.s32 @!p1 $0x1082;
	[sflag:s4] =	ssyncset.s32 $0xFFFFF086  }
0x25: {  	[simem:s6], [sflag:s4] =	dma.local [hbm:s3], $0xF7A  }
0x26: {  	[smem:$0x3F9F] =	sst s1;
	(tag) =	ssettag s2;
	_ =	strace s9  }
0x27: {  	s1 =	sld [smem:$0x3FAF]  }
0x28: {  	s2 =	sld [smem:$0x3FB0]  }
0x29: {  	s4 =	sld [smem:$0x3FB2]  }
0x2a: {  	p0 =	seq.s32 s5, $0x0;
	s5 =	sld [smem:$0x3FB3]  }
0x2b: {  	s6 =	sld [smem:$0x3FB4]  }
0x2c: {  	s7 =	sld [smem:$0x3FB5]  }
0x2d: {  	s3 =	simm.s32 $0x108;
	s8 =	sld [smem:$0x3FB6]  }
0x2e: {  	s3 =	simm.s32 @!p0 $0x1082;
	s9 =	sld [smem:$0x3FB7]  }
0x2f: {  	lr =	sadd.s32 s0, s3;
	s0 =	sld [smem:$0x3FAE]  }
0x30: {  	s3 =	sld [smem:$0x3FB1]  }
0x31: {  	[smem:$0x3FBA] =	sst s10  }
0x32: {  	s10 =	sld [smem:$0x3FB8];
	_ =	sdelay $0x3  }
0x33: {  	p0 =	seq.s32 s10, $0x1;
	s10 =	sld [smem:$0x3FBA];
	_ =	sdelay $0x3  }
0x34: {  	[smem:$0x3FBA] =	sst s10  }
0x35: {  	s10 =	sld [smem:$0x3FB9];
	_ =	sdelay $0x3  }
0x36: {  	p1 =	seq.s32 s10, $0x1;
	s10 =	sld [smem:$0x3FBA];
	_ =	sdelay $0x3  }
0x37: {  	[smem:$0x3FBA] =	sst s10  }
0x38: {  	s10 =	sld [smem:$0x3FBB]  }
0x39: {  	_ = 	snop;
	(pc) =	sbr.ind lr, $3  }
0x3a: {  	_ = 	snop  }
0x3b: {  	_ = 	snop  }
0x3c: {  	p2 =	seq.s32 s10, $0x1;
	s10 =	sld [smem:$0x3FBA]  }
0x3d: {  	_ =	shalt  }
0x3e: {  	_ =	shalt  }
0x3f: {  	_ =	shalt  }
0x40: {  	_ =	shalt  }
0x41: {  	_ =	shalt  }
0x42: {  	_ =	shalt  }
0x43: {  	_ =	shalt  }
0x44: {  	_ =	shalt  }
0x45: {  	_ =	shalt  }
0x46: {  	_ =	shalt  }
0x47: {  	_ =	shalt  }
0x48: {  	_ =	shalt  }
0x49: {  	_ =	shalt  }
0x4a: {  	_ =	shalt  }
0x4b: {  	_ =	shalt  }
0x4c: {  	_ =	shalt  }
0x4d: {  	_ =	shalt  }
0x4e: {  	_ =	shalt  }
0x4f: {  	_ =	shalt  }
0x50: {  	_ =	shalt  }
0x51: {  	_ =	shalt  }
0x52: {  	_ =	shalt  }
0x53: {  	_ =	shalt  }
0x54: {  	_ =	shalt  }
0x55: {  	_ =	shalt  }
0x56: {  	_ =	shalt  }
0x57: {  	_ =	shalt  }
0x58: {  	_ =	shalt  }
0x59: {  	_ =	shalt  }
0x5a: {  	_ =	shalt  }
0x5b: {  	_ =	shalt  }
0x5c: {  	_ =	shalt  }
0x5d: {  	_ =	shalt  }
0x5e: {  	_ =	shalt  }
0x5f: {  	_ =	shalt  }
0x60: {  	_ =	shalt  }
0x61: {  	_ =	shalt  }
0x62: {  	_ =	shalt  }
0x63: {  	_ =	shalt  }
0x64: {  	_ =	shalt  }
0x65: {  	_ =	shalt  }
0x66: {  	_ =	shalt  }
0x67: {  	_ =	shalt  }
0x68: {  	_ =	shalt  }
0x69: {  	_ =	shalt  }
0x6a: {  	_ =	shalt  }
0x6b: {  	_ =	shalt  }
0x6c: {  	_ =	shalt  }
0x6d: {  	_ =	shalt  }
0x6e: {  	_ =	shalt  }
0x6f: {  	_ =	shalt  }
0x70: {  	_ =	shalt  }
0x71: {  	_ =	shalt  }
0x72: {  	_ =	shalt  }
0x73: {  	_ =	shalt  }
0x74: {  	_ =	shalt  }
0x75: {  	_ =	shalt  }
0x76: {  	_ =	shalt  }
0x77: {  	_ =	shalt  }
0x78: {  	_ =	shalt  }
0x79: {  	_ =	shalt  }
0x7a: {  	_ =	shalt  }
0x7b: {  	_ =	shalt  }
0x7c: {  	_ =	shalt  }
0x7d: {  	_ =	shalt  }
0x7e: {  	_ =	shalt  }
0x7f: {  	_ =	shalt  }
0x80: {  	_ =	shalt  }
0x81: {  	_ =	shalt  }
0x82: {  	_ =	shalt  }
0x83: {  	_ =	shalt  }
0x84: {  	_ =	shalt  }
0x85: {  	_ =	shalt  }
0x86: {  	_ =	shalt  }
0x87: {  	_ =	shalt  }
.Lfunc_end0:
.L_simem_size_0:
called_computation_lowered:
.L_overlay_start_0:
0x88: {  	s0 =	sld [smem:$0x3FD9]  }
0x89: {  	s1 =	sld [smem:$0x3FFE];
	_ =	sdelay $0x3  }
0x8a: {  	s0 =	sadd.s32 s1, s0  }
0x8b: {  	[smem:$0x3FC6] =	sst s0  }
0x8c: {  	_ = 	snop  }
0x8d: {  	s0 =	sld [smem:$0x3FC9]  }
0x8e: {  	s17 =	sld [smem:$0x3FC8]  }
0x8f: {  	s2 =	sld [smem:$0x3FD0];
	(tm) =	ssettm $0x1  }
0x90: {  	s3 =	sld [smem:$0x3FFB];
	_ =	sdelay $0x3  }
0x91: {  	_ =	strace s3  }
0x92: {  	s3 =	sld [smem:$0x3FFC];
	_ =	sdelay $0x3  }
0x93: {  	_ =	strace s3  }
0x94: {  	s3 =	sld [smem:$0x3FFD];
	_ =	sdelay $0x3  }
0x95: {  	_ =	strace s3  }
0x96: {  	_ =	strace $0x8FFFFFFF  }
0x97: {  	s18 =	sld [smem:$0x3FDB];
	_ =	sdelay $0x1  }
0x98: {  	s4 =	simm.s32 $_scs_section_size  }
0x99: {  	s5 =	simm.s32 $_size__tile_overlayer_lowered;
	s6 =	simm.s32 $_tile_overlayer_lowered  }
0x9a: {  	s21 =	simm.s32 $0x1BFF;
	s20 =	sshll.u32 s6, $0x1;
	s3 =	sadd.s32 s4, s18  }
0x9b: {  	s7 =	simm.s32 $0x0;
	s19 =	sshll.u32 s5, $0x1;
	s5 =	sadd.s32 s20, s3  }
0x9c: {  	[timem:s7], [sflag:s21] =	dma.local [hbm:s5], s19  }
0x9d: {  	_ =	swait.ge [sflag:s21], s19  }
0x9e: {  	s4 =	ssub.s32 $0x0, s19;
	[sflag:s21] =	ssyncset.done $0x0  }
0x9f: {  	[sflag:s21] =	ssyncadd.s32 s4;
	_ =	sdelay $0x1  }
0xa0: {  	s22 =	simm.s32 $0x1B8B  }
0xa1: {  	_ =	swait.ge [sflag:s22], $0x1  }
0xa2: {  	[sflag:s22] =	ssyncset.done $0x0  }
0xa3: {  	s23 =	simm.s32 $0x1B8E;
	[sflag:s22] =	ssyncadd.s32 $0xFFFFFFFF  }
0xa4: {  	s24 =	simm.s32 $execute0_lowered;
	[smem:$0x3FD2] =	sst s23  }
0xa5: {  	s4 =	sshll.u32 s24, $0x1;
	_ =	strace $0x80000046;
	[dreg:$0x1] =	wrdreg $0xFFFFFFFF  }
0xa6: {  	s25 =	simm.s32 $_size_execute0_lowered;
	s3 =	sadd.s32 s3, s4;
	[dreg:$0x0] =	wrdreg $0x0  }
0xa7: {  	s4 =	sshll.u32 s25, $0x1;
	[dreg:$0x2] =	wrdreg s3  }
0xa8: {  	[dreg:$0x3] =	wrdreg s4  }
0xa9: {  	[dreg:$0x4] =	wrdreg $0xC0  }
0xaa: {  	_ =	task [dreg:s7], $0x5FFFF  }
0xab: {  	[dreg:$0x1] =	wrdreg $0xFFFFFFFF  }
0xac: {  	[dreg:$0x0] =	wrdreg $0x60  }
0xad: {  	[dreg:$0x2] =	wrdreg s0  }
0xae: {  	[dreg:$0x3] =	wrdreg s17  }
0xaf: {  	[dreg:$0x4] =	wrdreg s2  }
0xb0: {  	[dreg:$0x5] =	wrdreg $0x5A800  }
0xb1: {  	[dreg:$0x6] =	wrdreg $0x9  }
0xb2: {  	_ =	task.clear_ibuf [dreg:s7], $0x7FFFF;
	_ =	strace $0x90000046  }
0xb3: {  	s26 =	simm.s32 $0x9;
	_ =	strace $0x80000048  }
0xb4: {  	_ =	swait.ge [sflag:s26], $0x1  }
0xb5: {  	[sflag:s26] =	ssyncadd.s32 $0xFFFFFFFF  }
0xb6: {  	_ =	strace $0x90000048  }
0xb7: {  	_ =	sfence  }
0xb8: {  	s28 =	sld [smem:$0x0];
	_ =	sdelay $0x1  }
0xb9: {  	s29 =	srdreg.scid  }
0xba: {  	s30 =	sshll.u32 s29, $0xD;
	s31 =	sshrl.u32 s29, $0x2  }
0xbb: {  	s1 =	sand.u32 $0x1, s29;
	s2 =	sand.u32 $0x4000, s30;
	s0 =	sadd.s32 s31, s28  }
0xbc: {  	s1 =	sor.u32 s2, s1;
	s0 =	sshll.u32 s0, $0x11  }
0xbd: {  	s0 =	sor.u32 s0, s1  }
0xbe: {  	s0 =	sadd.s32 $0x8F2B, s0  }
0xbf: {  	[sflag:s0] =	ssyncadd.remote.s32 $0x1  }
0xc0: {  	_ =	sfence.sel $0xFFFF  }
0xc1: {  	[dreg:$0x0] =	wrdreg $0xFFFFFFFF;
	(pc) =	sbr.abs _section_cstart, $3  }
0xc2: {  	[dreg:$0x1] =	wrdreg $0xFFFFFFFF  }
0xc3: {  	_ =	task.clear_ibuf [dreg:s7], $0x2FFFF;
	_ =	strace $0x9FFFFFFF  }
0xc4: {  	(tm) =	ssettm $0x7FFFFFFF  }
0xc5: {  	_ =	shalt  }
tec
execute0_lowered:
.L_overlay_start_1:
0x0: {  	(tag) =	ssettag $0x1  }
0x1: {  	s10 =	rddreg [dreg:$0x0]  }
0x2: {  	s6 =	rddreg [dreg:$0x1];
	s2 =	stileid.u32  }
0x3: {  	s1 =	rddreg [dreg:$0x2];
	p0 =	sne.s32 s2, $0x0  }
0x4: {  	s3 =	rddreg [dreg:$0x3];
	v0 =	vimm.f32 @!p0 $0.0e+00  }
0x5: {  	s0 =	rddreg [dreg:$0x4];
	_ =	strace $0x80000047;
	[tilespmem:$0x5980] =	vst @!p0 v0;
	v0 =	vlaneseq.u32  }
0x6: {  	s5 =	smul.u32 $0x5, s2;
	s4 =	simm.s32 @!p0 $0x5980;
	s2 =	simm.s32 @!p0 $0x4;
	v1 =	vshrl.u32 v0, $0x1  }
0x7: {  	[spmem:s3] =	stream.linear.scatter @!p0 [tilespmem:s4], [sflag:$0x4], $0x80, $0x38;
	v1 =	vmul.u32 $0x2, v1;
	[tilespmem:$0x5A88] =	vst v63  }
0x8: {  	s7 =	smin.u32 s5, $0x43;
	_ =	swait.ge @!p0 [sflag:s2], $0x80  }
0x9: {  	s7 =	sshll.u32 s7, $0x4;
	[sflag:s2] =	ssyncset.done @!p0 $0x0;
	v3 =	vor.u32 $0x441, v1  }
0xa: {  	s11 =	simm.s32 $0x0;
	s8 =	simm.s32 $0x1;
	[sflag:s2] =	ssyncadd.s32 @!p0 $0xFFFFFF80;
	v2 =	vadd.s32 s7, v3  }
0xb: {  	[tilespmem:s11], [sflag:$0x1] =	stream.linear.gather [hbm4b:s6+s11], $0x880, $0x38;
	[tilespmem:$0x5A88] =	vst v63  }
0xc: {  	_ =	swait.ge [sflag:s8], $0x880  }
0xd: {  	[sflag:s8] =	ssyncset.done $0x0  }
0xe: {  	s31 =	sadd.s32 $0x1, s5;
	v1 =	vor.u32 s7, v0;
	[sflag:s8] =	ssyncadd.s32 $0xFFFFF780  }
0xf: {  	s13 =	smin.u32 s31, $0x43;
	v4 =	vand.u32 $0x7FE, v1;
	v7 =	vld.idx.msk [tilespmem:v2+s11+$0x0], $0xffff  }
0x10: {  	v26 =	vand.u32 $0x1, v0;
	v25 =	vmulhi.u32 $0x7878788, v1;
	s7 =	sshll.u32 s13, $0x4;
	v5 =	vadd.s32 $0x440, v4  }
0x11: {  	v10 =	vmul.u32 $0x100, v26;
	v6 =	vadd.s32 s7, v3  }
0x12: {  	v2 =	vshll.u32 v25, $0x9  }
0x13: {  	v2 =	vor.u32 v10, v2  }
0x14: {  	v12 =	vadd.s32 v7, v2  }
0x15: {  	s14 =	sadd.s32 $0x2, s5;
	v4 =	vor.u32 s7, v0;
	v11 =	vld.idx.msk [tilespmem:v5+s11+$0x0], $0xffff;
	[tilespmem:$0x880] =	vst v12  }
0x16: {  	s15 =	smin.u32 s14, $0x43;
	v27 =	vand.u32 $0x7FE, v4;
	v8 =	vld.idx.msk [tilespmem:v6+s11+$0x0], $0xffff  }
0x17: {  	v28 =	vmulhi.u32 $0x7878788, v4;
	s8 =	sshll.u32 s15, $0x4;
	v2 =	vadd.s32 $0x440, v27  }
0x18: {  	v9 =	vadd.s32 s8, v3  }
0x19: {  	v5 =	vshll.u32 v28, $0x9  }
0x1a: {  	v13 =	vor.u32 v10, v5  }
0x1b: {  	v31 =	vadd.s32 v8, v13  }
0x1c: {  	s16 =	sadd.s32 $0x3, s5;
	v29 =	vor.u32 s8, v0;
	v30 =	vld.idx.msk [tilespmem:v2+s11+$0x0], $0xffff;
	[tilespmem:$0x890] =	vst v31  }
0x1d: {  	s9 =	smin.u32 s16, $0x43;
	v32 =	vand.u32 $0x7FE, v29;
	v9 =	vld.idx.msk [tilespmem:v9+s11+$0x0], $0xffff  }
0x1e: {  	s9 =	sshll.u32 s9, $0x4;
	v34 =	vmulhi.u32 $0x7878788, v29;
	v33 =	vadd.s32 $0x440, v32  }
0x1f: {  	v35 =	vadd.s32 s9, v3  }
0x20: {  	v8 =	vshll.u32 v34, $0x9  }
0x21: {  	v14 =	vor.u32 v10, v8  }
0x22: {  	v9 =	vadd.s32 v9, v14  }
0x23: {  	s17 =	sadd.s32 $0x4, s5;
	v36 =	vor.u32 s9, v0;
	v2 =	vld.idx.msk [tilespmem:v33+s11+$0x0], $0xffff;
	[tilespmem:$0x8A0] =	vst v9  }
0x24: {  	s12 =	smin.u32 s17, $0x43;
	v37 =	vand.u32 $0x7FE, v36;
	v13 =	vld.idx.msk [tilespmem:v35+s11+$0x0], $0xffff  }
0x25: {  	s12 =	sshll.u32 s12, $0x4;
	v38 =	vmulhi.u32 $0x7878788, v36;
	v14 =	vadd.s32 $0x440, v37  }
0x26: {  	v15 =	vadd.s32 s12, v3  }
0x27: {  	v39 =	vshll.u32 v38, $0x9  }
0x28: {  	v42 =	vand.u32 $0x7, v0;
	v16 =	vor.u32 v10, v39;
	v12 =	vshll.u32 v12, $0x1  }
0x29: {  	v7 =	vand.u32 $0x7, v7;
	v12 =	vand.u32 $0xFFFFFFF0, v12;
	v13 =	vadd.s32 v13, v16  }
0x2a: {  	v43 =	vshrl.u32 v0, $0x3;
	v40 =	vor.u32 s12, v0;
	v7 =	vor.u32 v7, v12;
	v41 =	vld.idx.msk [tilespmem:v14+s11+$0x0], $0xffff;
	[tilespmem:$0x8B0] =	vst v13  }
0x2b: {  	v17 =	vand.u32 $0x7FE, v40;
	v45 =	vperm.xlane v7, v42;
	v13 =	vmul.u32 $0x8, v43;
	v15 =	vld.idx.msk [tilespmem:v15+s11+$0x0], $0xffff  }
0x2c: {  	v18 =	vor.u32 $0x8, v0;
	v46 =	vmulhi.u32 $0x7878788, v40;
	v44 =	vadd.s32 $0x440, v17  }
0x2d: {  	v7 =	vperm.xlane v7, v18;
	v16 =	vadd.s32 v13, v45  }
0x2e: {  	v17 =	vshll.u32 v46, $0x9  }
0x2f: {  	v10 =	vor.u32 v10, v17;
	v47 =	vadd.s32 v13, v7  }
0x30: {  	v10 =	vadd.s32 v15, v10  }
0x31: {  	vm0 =	vmmov $0xffff;
	s18 =	simm.s32 $0x900;
	v48 =	vld.idx.msk [tilespmem:v44+s11+$0x0], $0xffff;
	[tilespmem:$0x8C0] =	vst v10  }
0x32: {  	[tilespmem:s18], [sflag:$0x2] =	stream.indirect_vreg.gather [hbm4b:s10+s11], $0x80, v16, vm0, $0xb8;
	[tilespmem:$0x5A88] =	vst v63  }
0x33: {  	s13 =	simm.s32 $0x1100  }
0x34: {  	[tilespmem:s13], [sflag:$0x2] =	stream.indirect_vreg.gather [hbm4b:s10+s11], $0x80, v47, vm0, $0xb8;
	[tilespmem:$0x5A88] =	vst v63  }
0x35: {  	v49 =	vld [tilespmem:$0x890];
	_ =	sdelay $0x4  }
0x36: {  	v50 =	vshll.u32 v49, $0x1  }
0x37: {  	v10 =	vand.u32 $0x7, v49;
	v14 =	vand.u32 $0xFFFFFFF0, v50  }
0x38: {  	v10 =	vor.u32 v10, v14  }
0x39: {  	v14 =	vperm.xlane v10, v42;
	_ =	sdelay $0x1  }
0x3a: {  	v10 =	vperm.xlane v10, v18;
	v14 =	vadd.s32 v13, v14;
	_ =	sdelay $0x1  }
0x3b: {  	v10 =	vadd.s32 v13, v10;
	_ =	sdelay $0x1  }
0x3c: {  	s19 =	simm.s32 $0x1900  }
0x3d: {  	[tilespmem:s19], [sflag:$0x2] =	stream.indirect_vreg.gather [hbm4b:s10+s11], $0x80, v14, vm0, $0xb8;
	[tilespmem:$0x5A88] =	vst v63  }
0x3e: {  	s20 =	simm.s32 $0x2100  }
0x3f: {  	[tilespmem:s20], [sflag:$0x2] =	stream.indirect_vreg.gather [hbm4b:s10+s11], $0x80, v10, vm0, $0xb8;
	[tilespmem:$0x5A88] =	vst v63  }
0x40: {  	v10 =	vld [tilespmem:$0x8A0];
	_ =	sdelay $0x4  }
0x41: {  	v51 =	vshll.u32 v10, $0x1  }
0x42: {  	v10 =	vand.u32 $0x7, v10;
	v14 =	vand.u32 $0xFFFFFFF0, v51  }
0x43: {  	v10 =	vor.u32 v10, v14  }
0x44: {  	v14 =	vperm.xlane v10, v42;
	_ =	sdelay $0x1  }
0x45: {  	v10 =	vperm.xlane v10, v18;
	v14 =	vadd.s32 v13, v14;
	_ =	sdelay $0x1  }
0x46: {  	v10 =	vadd.s32 v13, v10;
	_ =	sdelay $0x1  }
0x47: {  	s21 =	simm.s32 $0x2900  }
0x48: {  	[tilespmem:s21], [sflag:$0x2] =	stream.indirect_vreg.gather [hbm4b:s10+s11], $0x80, v14, vm0, $0xb8;
	[tilespmem:$0x5A88] =	vst v63  }
0x49: {  	s22 =	simm.s32 $0x3100  }
0x4a: {  	[tilespmem:s22], [sflag:$0x2] =	stream.indirect_vreg.gather [hbm4b:s10+s11], $0x80, v10, vm0, $0xb8;
	[tilespmem:$0x5A88] =	vst v63  }
0x4b: {  	v10 =	vld [tilespmem:$0x8B0];
	_ =	sdelay $0x4  }
0x4c: {  	v52 =	vshll.u32 v10, $0x1  }
0x4d: {  	v10 =	vand.u32 $0x7, v10;
	v14 =	vand.u32 $0xFFFFFFF0, v52  }
0x4e: {  	v10 =	vor.u32 v10, v14  }
0x4f: {  	v54 =	vimm.s32 $0xB80;
	vm2 =	vcmask $0x300;
	v14 =	vperm.xlane v10, v42  }
0x50: {  	vm5 =	vcmask $0x704;
	vm7 =	vcmask $0xB08;
	vm8 =	vcmask $0xF0C  }
0x51: {  	vm4 =	vcmask $0x1310;
	v10 =	vperm.xlane v10, v18;
	v14 =	vadd.s32 v13, v14  }
0x52: {  	vm1 =	vcmask $0x1714;
	v57 =	vimm.s32 $0x1B80;
	v59 =	vimm.s32 $0x3B80  }
0x53: {  	v58 =	vimm.s32 $0x2B80;
	v17 =	vsel vm2, $0x3000, v59;
	v10 =	vadd.s32 v13, v10  }
0x54: {  	v60 =	vimm.s32 $0x4B80;
	vm3 =	vcmask $0x1B18;
	v17 =	vsel vm5, $0x3080, v17  }
0x55: {  	s23 =	simm.s32 $0x3900;
	vm6 =	vcmask $0x1F1C;
	vm11 =	vcmask $0x2320;
	v17 =	vsel vm7, $0x3100, v17  }
0x56: {  	vm12 =	vcmask $0x2724;
	vm13 =	vcmask $0x2B28;
	v17 =	vsel vm8, $0x3180, v17;
	[tilespmem:s23], [sflag:$0x3] =	stream.indirect_vreg.gather [hbm4b:s10+s11], $0x80, v14, vm0, $0xb8;
	[tilespmem:$0x5A88] =	vst v63  }
0x57: {  	s24 =	simm.s32 $0x4100;
	vm14 =	vcmask $0x2F2C;
	vm15 =	vcmask $0x3330;
	v17 =	vsel vm4, $0x3200, v17  }
0x58: {  	vm9 =	vcmask $0x3734;
	vm10 =	vcmask $0x3B38;
	v17 =	vsel vm1, $0x3280, v17;
	[tilespmem:s24], [sflag:$0x3] =	stream.indirect_vreg.gather [hbm4b:s10+s11], $0x80, v10, vm0, $0xb8;
	[tilespmem:$0x5A88] =	vst v63  }
0x59: {  	v56 =	vand.u32 $0x7F, v11;
	v11 =	vshll.u32 v11, $0x3;
	v17 =	vsel vm3, $0x3300, v17;
	v10 =	vld [tilespmem:$0x8C0]  }
0x5a: {  	v55 =	vsel vm2, $0x0, v54;
	v11 =	vand.u32 $0xFFFFFC00, v11;
	v20 =	vsel vm6, $0x3380, v17  }
0x5b: {  	v11 =	vor.u32 v56, v11;
	v27 =	vshll.u32 v30, $0x3;
	v25 =	vsel vm11, $0x3800, v20  }
0x5c: {  	v35 =	vand.u32 $0x7F, v2;
	v2 =	vshll.u32 v2, $0x3;
	v28 =	vsel vm12, $0x3880, v25  }
0x5d: {  	v5 =	vand.u32 $0x7F, v30;
	v2 =	vand.u32 $0xFFFFFC00, v2;
	v32 =	vsel vm13, $0x3900, v28  }
0x5e: {  	v2 =	vor.u32 v35, v2;
	v3 =	vand.u32 $0x7F, v41;
	v53 =	vshll.u32 v10, $0x1  }
0x5f: {  	v15 =	vsel vm2, $0x1000, v57;
	v10 =	vand.u32 $0x7, v10;
	v14 =	vand.u32 $0xFFFFFFF0, v53  }
0x60: {  	v15 =	vsel vm5, $0x1080, v15;
	v16 =	vsel vm2, $0x2000, v58;
	v10 =	vor.u32 v10, v14  }
0x61: {  	v15 =	vsel vm7, $0x1100, v15;
	v12 =	vperm.xlane v10, v42;
	v10 =	vperm.xlane v10, v18  }
0x62: {  	v43 =	vshll.u32 v48, $0x3;
	v16 =	vsel vm5, $0x2080, v16;
	v15 =	vsel vm8, $0x1180, v15  }
0x63: {  	v12 =	vadd.s32 v13, v12;
	v10 =	vadd.s32 v13, v10;
	v13 =	vsel vm5, $0x80, v55  }
0x64: {  	v16 =	vsel vm7, $0x2100, v16;
	v15 =	vsel vm4, $0x1200, v15;
	v13 =	vsel vm7, $0x100, v13  }
0x65: {  	v16 =	vsel vm8, $0x2180, v16;
	v15 =	vsel vm1, $0x1280, v15;
	v13 =	vsel vm8, $0x180, v13  }
0x66: {  	v16 =	vsel vm4, $0x2200, v16;
	v15 =	vsel vm3, $0x1300, v15;
	v13 =	vsel vm4, $0x200, v13  }
0x67: {  	v16 =	vsel vm1, $0x2280, v16;
	v62 =	vsel vm6, $0x1380, v15;
	v13 =	vsel vm1, $0x280, v13  }
0x68: {  	v16 =	vsel vm3, $0x2300, v16;
	v18 =	vsel vm2, $0x4000, v60;
	v13 =	vsel vm3, $0x300, v13  }
0x69: {  	v23 =	vsel vm11, $0x1800, v62;
	v18 =	vsel vm5, $0x4080, v18;
	v13 =	vsel vm6, $0x380, v13  }
0x6a: {  	v63 =	vsel vm6, $0x2380, v16;
	v18 =	vsel vm7, $0x4100, v18;
	v13 =	vsel vm11, $0x800, v13  }
0x6b: {  	s25 =	simm.s32 $0x4900;
	v24 =	vsel vm11, $0x2800, v63;
	v18 =	vsel vm8, $0x4180, v18;
	v13 =	vsel vm12, $0x880, v13  }
0x6c: {  	v18 =	vsel vm4, $0x4200, v18;
	[tilespmem:s25], [sflag:$0x3] =	stream.indirect_vreg.gather [hbm4b:s10+s11], $0x80, v12, vm0, $0xb8;
	v12 =	vsel vm12, $0x1880, v23;
	v13 =	vsel vm13, $0x900, v13;
	[tilespmem:$0x5A88] =	vst v63  }
0x6d: {  	s26 =	simm.s32 $0x5100;
	v18 =	vsel vm1, $0x4280, v18;
	v12 =	vsel vm13, $0x1900, v12;
	v13 =	vsel vm14, $0x980, v13  }
0x6e: {  	v18 =	vsel vm3, $0x4300, v18;
	[tilespmem:s26], [sflag:$0x3] =	stream.indirect_vreg.gather [hbm4b:s10+s11], $0x80, v10, vm0, $0xb8;
	v12 =	vsel vm14, $0x1980, v12;
	v61 =	vsel vm15, $0xA00, v13;
	[tilespmem:$0x5A88] =	vst v63  }
0x6f: {  	v21 =	vsel vm6, $0x4380, v18;
	v1 =	vld.idx.msk [tilespmem:v1+s11+$0x0], $0xffff;
	v12 =	vsel vm15, $0x1A00, v12;
	v22 =	vsel vm9, $0xA80, v61  }
0x70: {  	v4 =	vld.idx.msk [tilespmem:v4+s11+$0x0], $0xffff;
	v30 =	vsel vm9, $0x1A80, v12;
	v13 =	vsel vm12, $0x2880, v24;
	v10 =	vsel vm10, $0xB00, v22  }
0x71: {  	v6 =	vld.idx.msk [tilespmem:v29+s11+$0x0], $0xffff;
	v31 =	vsel vm13, $0x2900, v13;
	v10 =	vadd.s32 v10, v11;
	v11 =	vand.u32 $0xFFFFFC00, v27  }
0x72: {  	s28 =	simm.s32 $0x2;
	v8 =	vld.idx.msk [tilespmem:v36+s11+$0x0], $0xffff;
	v34 =	vsel vm14, $0x2980, v31;
	v5 =	vor.u32 v5, v11;
	v11 =	vsel vm10, $0x1B00, v30  }
0x73: {  	v26 =	vsel vm11, $0x4800, v21;
	v9 =	vld.idx.msk [tilespmem:v40+s11+$0x0], $0xffff;
	_ =	swait.ge [sflag:s28], $0x3000;
	v5 =	vadd.s32 v11, v5;
	v11 =	vsel vm15, $0x2A00, v34  }
0x74: {  	v7 =	vand.u32 $0x7F, v48;
	v29 =	vsel vm12, $0x4880, v26;
	[sflag:s28] =	ssyncset.done $0x0;
	v11 =	vsel vm9, $0x2A80, v11  }
0x75: {  	v40 =	vshll.u32 v41, $0x3;
	[sflag:s28] =	ssyncadd.s32 $0xFFFFD000;
	v13 =	vsel vm14, $0x3980, v32;
	v11 =	vsel vm10, $0x2B00, v11  }
0x76: {  	v33 =	vsel vm13, $0x4900, v29;
	v36 =	vsel vm15, $0x3A00, v13;
	v10 =	vld.idx.msk [tilespmem:v10+s18+$0x0], $0xffff;
	v2 =	vadd.s32 v11, v2  }
0x77: {  	v41 =	vand.u32 $0xFFFFFC00, v40;
	v14 =	vsel vm14, $0x4980, v33;
	v38 =	vsel vm9, $0x3A80, v36  }
0x78: {  	v3 =	vor.u32 v3, v41;
	v37 =	vsel vm15, $0x4A00, v14;
	v42 =	vsel vm10, $0x3B00, v38  }
0x79: {  	v44 =	vand.u32 $0xFFFFFC00, v43;
	v39 =	vsel vm9, $0x4A80, v37;
	v3 =	vadd.s32 v42, v3;
	v5 =	vld.idx.msk [tilespmem:v5+s18+$0x0], $0xffff  }
0x7a: {  	s29 =	simm.s32 $0x3;
	v7 =	vor.u32 v7, v44;
	v45 =	vsel vm10, $0x4B00, v39  }
0x7b: {  	v7 =	vadd.s32 v45, v7;
	v1 =	vsub.f32 v10, v1;
	v2 =	vld.idx.msk [tilespmem:v2+s18+$0x0], $0xffff;
	_ =	swait.ge [sflag:s29], $0x2000  }
0x7c: {  	[sflag:s29] =	ssyncset.done $0x0  }
0x7d: {  	v1 =	vand.u32 $0x7FFFFFFF, v1;
	[sflag:s29] =	ssyncadd.s32 $0xFFFFE000  }
0x7e: {  	v4 =	vsub.f32 v5, v4;
	v46 =	vmul.f32 $5.000000000e-01, v1;
	v3 =	vld.idx.msk [tilespmem:v3+s18+$0x0], $0xffff  }
0x7f: {  	v48 =	vadd.f32 $-5.000000000e-01, v1  }
0x80: {  	v50 =	vld.idx.msk [tilespmem:v7+s18+$0x0], $0xffff;
	v4 =	vand.u32 $0x7FFFFFFF, v4;
	v47 =	vmul.f32 v46, v1;
	v2 =	vsub.f32 v2, v6  }
0x81: {  	vm11 =	vlt.f32 v1, $1.000000000e+00;
	v49 =	vmul.f32 $5.000000000e-01, v4;
	v51 =	vadd.f32 $-5.000000000e-01, v4  }
0x82: {  	vm12 =	vlt.f32 v4, $1.000000000e+00;
	v5 =	vsel vm11, v47, v48;
	v2 =	vand.u32 $0x7FFFFFFF, v2  }
0x83: {  	p1 =	slt.s32 s5, $0x44;
	v1 =	vmul.f32 v49, v4;
	v52 =	vmul.f32 $5.000000000e-01, v2;
	v3 =	vsub.f32 v3, v8  }
0x84: {  	v5 =	vpsel !p1, $0x0, v5;
	v54 =	vadd.f32 $-5.000000000e-01, v2;
	vm13 =	vlt.f32 v2, $1.000000000e+00  }
0x85: {  	p4 =	slt.s32 s31, $0x44;
	v56 =	vsub.f32 v50, v9;
	v1 =	vsel vm12, v1, v51;
	v55 =	vand.u32 $0x7FFFFFFF, v3  }
0x86: {  	v53 =	vmul.f32 v52, v2;
	v1 =	vpsel !p4, $0x0, v1;
	v57 =	vmul.f32 $5.000000000e-01, v55  }
0x87: {  	v3 =	vand.u32 $0x7FFFFFFF, v56;
	v1 =	vadd.f32 v1, v5;
	v59 =	vadd.f32 $-5.000000000e-01, v55  }
0x88: {  	p2 =	slt.s32 s14, $0x44;
	v60 =	vmul.f32 $5.000000000e-01, v3;
	v4 =	vsel vm13, v53, v54;
	v58 =	vmul.f32 v57, v55  }
0x89: {  	vm14 =	vlt.f32 v55, $1.000000000e+00;
	v62 =	vadd.f32 $-5.000000000e-01, v3;
	v4 =	vpsel !p2, $0x0, v4  }
0x8a: {  	p5 =	slt.s32 s16, $0x44;
	v61 =	vmul.f32 v60, v3;
	v1 =	vadd.f32 v4, v1;
	v2 =	vsel vm14, v58, v59  }
0x8b: {  	vm15 =	vlt.f32 v3, $1.000000000e+00;
	v2 =	vpsel !p5, $0x0, v2  }
0x8c: {  	p6 =	slt.s32 s17, $0x44;
	v3 =	vsel vm15, v61, v62;
	v1 =	vadd.f32 v2, v1  }
0x8d: {  	v63 =	vpsel !p6, $0x0, v3  }
0x8e: {  	v1 =	vadd.f32 v63, v1;
	_ =	sdelay $0x1  }
0x8f: {  	[tilespmem:$0x5900] =	vst v1  }
0x90: {  	s30 =	simm.s32 $0x5900;
	s31 =	simm.s32 $0x4;
	[bflag:$0x0] =	sbarrier.arrive $0xFFFF  }
0x91: {  	[spmem:s3] =	stream.indirect_vreg.scatter.add.f32 [tilespmem:s30], [sflag:$0x4], $0x1, v0, vm0, $0xb8;
	[tilespmem:$0x5A88] =	vst v63  }
0x92: {  	_ =	swait.ge [sflag:s31], $0x10  }
0x93: {  	[sflag:s31] =	ssyncset.done $0x0  }
0x94: {  	[sflag:s31] =	ssyncadd.s32 $0xFFFFFFF0  }
0x95: {  	[bflag:$0x0] =	sbarrier.arrive $0xFFFF  }
0x96: {  	_ =	sfence.sel @p0 $0x180000  }
0x97: {  	[bflag:$0x0] =	sbarrier.arrive @p0 $0xFFFF  }
0x98: {  	_ =	strace @p0 $0x90000047  }
0x99: {  	[bflag:$0x2] =	sbarrier.arrive @p0 $0xFFFF  }
0x9a: {  	[tilespmem:s4], [sflag:$0x4] =	stream.linear.gather @!p0 [spmem:s3], $0x80, $0x38;
	[tilespmem:$0x5A88] =	vst v63  }
0x9b: {  	_ =	swait.ge @!p0 [sflag:s2], $0x80  }
0x9c: {  	[sflag:s2] =	ssyncset.done @!p0 $0x0  }
0x9d: {  	[sflag:s2] =	ssyncadd.s32 @!p0 $0xFFFFFF80  }
0x9e: {  	v0 =	vld @!p0 [tilespmem:$0x5980];
	_ =	sdelay $0x4  }
0x9f: {  	(xrf2) =	vadd.scan.msk.f32 @!p0 $0xffff, v0;
	_ =	sdelay $0x9  }
0xa0: {  	v0, _, _ =	vpop @!p0 (xrf2)  }
0xa1: {  	(v2sf) =	vpush @!p0 v0, $0xF;
	_ =	sdelay $0xe  }
0xa2: {  	s3 =	spop @!p0 (v2sf)  }
0xa3: {  	s3 =	smul.f32 @!p0 $9.191176500e-04, s3;
	_ =	sdelay $0x1  }
0xa4: {  	v0 =	vmov @!p0 s3  }
0xa5: {  	s4 =	simm.s32 @!p0 $0x5A00;
	s3 =	simm.s32 @!p0 $0x0;
	[tilespmem:$0x5A00] =	vst @!p0 v0  }
0xa6: {  	[hbm4b:s1+s3] =	stream.linear.scatter @!p0 [tilespmem:s4], [sflag:$0x4], $0x80, $0x38;
	[tilespmem:$0x5A88] =	vst v63  }
0xa7: {  	_ =	swait.ge @!p0 [sflag:s2], $0x80  }
0xa8: {  	[sflag:s2] =	ssyncset.done @!p0 $0x0  }
0xa9: {  	[sflag:s2] =	ssyncadd.s32 @!p0 $0xFFFFFF80  }
0xaa: {  	_ =	sfence.sel @!p0 $0x180000  }
0xab: {  	[bflag:$0x0] =	sbarrier.arrive @!p0 $0xFFFF  }
0xac: {  	_ =	strace @!p0 $0x90000047  }
0xad: {  	s0 =	sadd.s32 @!p0 $0x100000, s0;
	[bflag:$0x2] =	sbarrier.arrive @!p0 $0xFFFF  }
0xae: {  	[sflag:s0] =	ssyncadd.tile.s32 @!p0 $0x1;
	_ =	shalt  }
.Lfunc_end2:
_tile_overlayer_lowered:
.L_overlay_start_2:
0xaf: {  	(tag) =	ssettag $0x2  }
0xb0: {  	s0 =	rddreg [dreg:$0x0];
	s2 =	stileid.u32  }
0xb1: {  	s1 =	rddreg [dreg:$0x1];
	p0 =	sne.s32 s2, $0x0  }
0xb2: {  	s3 =	rddreg [dreg:$0x2];
	[bflag:$0x3] =	sbarrier.arrive $0xFFFF;
	s2 =	simm.s32 @!p0 $0x1C04  }
0xb3: {  	[timem:s3], [sflag:s2] =	dma.local @!p0 [hbm:s0], s1  }
0xb4: {  	s0 =	simm.s32 @!p0 $0x4  }
0xb5: {  	_ =	swait.ge @!p0 [sflag:s0], s1  }
0xb6: {  	s1 =	ssub.s32 @!p0 $0x0, s1;
	[sflag:s0] =	ssyncset.done @!p0 $0x0  }
0xb7: {  	[sflag:s0] =	ssyncadd.s32 @!p0 s1  }
0xb8: {  	[bflag:$0x3] =	sbarrier.arrive $0xFFFF  }
0xb9: {  	_ =	shalt  }

</sc_bundles>
